<compile_context>
chip_gen: v7x
topology: tpu7x:2x2x1
jax: 0.10.2.dev20260603
libtpu: 0.0.44.dev20260713+nightly
codegen_flags: <defaults>
</compile_context>

<pallas_src>
import math

import numpy as np
import jax
import jax.numpy as jnp
from jax.experimental import pallas as pl
from jax.experimental.pallas import tpu as pltpu

_H = 512
_W = 512
_MIN_SIZES = [[10, 16, 24], [32, 48], [64, 96], [128, 192, 256]]
_STEPS = [8, 16, 32, 64]
_VAR0 = 0.1
_VAR1 = 0.2
_TOP_K = 5000
_CONF_THR = 0.3
_NMS_THR = 0.3
_KEEP_TOP_K = 750

_NP = sum(math.ceil(_H / s) * math.ceil(_W / s) * len(m)
          for s, m in zip(_STEPS, _MIN_SIZES))
_NP_PAD = ((_NP + 127) // 128) * 128
_T = 256
_N_PAD = ((_TOP_K + _T - 1) // _T) * _T
_NB = _N_PAD // _T
_C = 512
_NC = _N_PAD // _C


def _build_priors_np():
    anchors = []
    for k, step in enumerate(_STEPS):
        fh = math.ceil(_H / step)
        fw = math.ceil(_W / step)
        for i in range(fh):
            for j in range(fw):
                for ms in _MIN_SIZES[k]:
                    anchors.append([(j + 0.5) * step / _W, (i + 0.5) * step / _H,
                                    ms / _W, ms / _H])
    return np.array(anchors, dtype=np.float32)


_PRIORS_T = np.zeros((4, _NP_PAD), dtype=np.float32)
_PRIORS_T[:, :_NP] = _build_priors_np().T


def _decode_kernel(loc_ref, pri_ref, conf_ref, iou_ref, box_ref, sc_ref):
    loc = loc_ref[...]
    pxy = pri_ref[0:2, :]
    pwh = pri_ref[2:4, :]
    cxy = pxy + loc[0:2, :] * _VAR0 * pwh
    wh = pwh * jnp.exp(loc[2:4, :] * _VAR1)
    x1y1 = cxy - wh * 0.5
    x2y2 = x1y1 + wh
    lmks = [pxy + loc[s:s + 2, :] * _VAR0 * pwh for s in (4, 6, 8, 10, 12)]
    box_ref[...] = jnp.concatenate([x1y1, x2y2] + lmks, axis=0) * float(_W)
    cls = conf_ref[...]
    iouv = jnp.clip(iou_ref[...], 0.0, 1.0)
    s = jnp.sqrt(jnp.maximum(cls * iouv, 1e-12))
    sc_ref[...] = jnp.where(s > _CONF_THR, s, -1.0)


def _nms_kernel(rows_ref, cols_ref, valid_ref, keep_ref):
    x1 = cols_ref[0:1, :]
    y1 = cols_ref[1:2, :]
    x2 = cols_ref[2:3, :]
    y2 = cols_ref[3:4, :]
    iota_c = jax.lax.broadcasted_iota(jnp.int32, (1, _C), 1)
    rt = jax.lax.broadcasted_iota(jnp.int32, (_T, _T), 0)
    ct = jax.lax.broadcasted_iota(jnp.int32, (_T, _T), 1)
    ltmask = (rt < ct).astype(jnp.float32)
    keep_ref[...] = valid_ref[...]

    def block_body(i, carry):
        bb = rows_ref[pl.dslice(i * _T, _T), :]
        x1b = bb[:, 0:1]
        y1b = bb[:, 1:2]
        x2b = bb[:, 2:3]
        y2b = bb[:, 3:4]
        ab = (x2b - x1b) * (y2b - y1b)

        x1r = cols_ref[0:1, pl.dslice(i * _T, _T)]
        y1r = cols_ref[1:2, pl.dslice(i * _T, _T)]
        x2r = cols_ref[2:3, pl.dslice(i * _T, _T)]
        y2r = cols_ref[3:4, pl.dslice(i * _T, _T)]
        ar = (x2r - x1r) * (y2r - y1r)
        interb = (jnp.maximum(jnp.minimum(x2b, x2r) - jnp.maximum(x1b, x1r), 0.0)
                  * jnp.maximum(jnp.minimum(y2b, y2r) - jnp.maximum(y1b, y1r), 0.0))
        ioub = interb / (ab + ar - interb + 1e-12)
        mlt = (ioub > _NMS_THR).astype(jnp.float32) * ltmask
        kb0 = keep_ref[0:1, pl.dslice(i * _T, _T)]

        def fcond(carry):
            return carry[1]

        def fbody(carry):
            kb, _ = carry
            sup = jnp.dot(kb, mlt, preferred_element_type=jnp.float32)
            knew = kb0 * jnp.where(sup > 0.0, 0.0, 1.0)
            return knew, jnp.any(knew != kb)

        kb, _ = jax.lax.while_loop(fcond, fbody, (kb0, True))
        keep_ref[0:1, pl.dslice(i * _T, _T)] = kb

        def col_body(j, c2):
            x1c = cols_ref[0:1, pl.dslice(j * _C, _C)]
            y1c = cols_ref[1:2, pl.dslice(j * _C, _C)]
            x2c = cols_ref[2:3, pl.dslice(j * _C, _C)]
            y2c = cols_ref[3:4, pl.dslice(j * _C, _C)]
            ac = (x2c - x1c) * (y2c - y1c)
            ic = (jnp.maximum(jnp.minimum(x2b, x2c) - jnp.maximum(x1b, x1c), 0.0)
                  * jnp.maximum(jnp.minimum(y2b, y2c) - jnp.maximum(y1b, y1c), 0.0))
            iouc = ic / (ab + ac - ic + 1e-12)
            mc = (iouc > _NMS_THR).astype(jnp.float32)
            cross = jnp.dot(kb, mc, preferred_element_type=jnp.float32)
            sup = (cross > 0.0) & (iota_c + j * _C >= (i + 1) * _T)
            keep_ref[0:1, pl.dslice(j * _C, _C)] = (
                keep_ref[0:1, pl.dslice(j * _C, _C)]
                * (1.0 - sup.astype(jnp.float32)))
            return c2

        jax.lax.fori_loop(((i + 1) * _T) // _C, _NC, col_body, 0)
        return carry

    jax.lax.fori_loop(0, _NB, block_body, 0)


def kernel(loc, conf, iou):
    b = loc.shape[0]
    loc_t = jnp.transpose(loc, (0, 2, 1))
    loc_t = jnp.pad(loc_t, ((0, 0), (0, 0), (0, _NP_PAD - _NP)))
    conf1 = jnp.pad(conf[:, :, 1:2], ((0, 0), (0, _NP_PAD - _NP), (0, 0)))
    conf1 = jnp.transpose(conf1, (0, 2, 1))
    iou0 = jnp.pad(iou[:, :, 0:1], ((0, 0), (0, _NP_PAD - _NP), (0, 0)))
    iou0 = jnp.transpose(iou0, (0, 2, 1))
    priors = jnp.asarray(_PRIORS_T)

    boxes_t, scores = pl.pallas_call(
        _decode_kernel,
        grid=(b,),
        in_specs=[
            pl.BlockSpec((None, 14, _NP_PAD), lambda i: (i, 0, 0)),
            pl.BlockSpec((4, _NP_PAD), lambda i: (0, 0)),
            pl.BlockSpec((None, 1, _NP_PAD), lambda i: (i, 0, 0)),
            pl.BlockSpec((None, 1, _NP_PAD), lambda i: (i, 0, 0)),
        ],
        out_specs=[
            pl.BlockSpec((None, 14, _NP_PAD), lambda i: (i, 0, 0)),
            pl.BlockSpec((None, 1, _NP_PAD), lambda i: (i, 0, 0)),
        ],
        out_shape=[
            jax.ShapeDtypeStruct((b, 14, _NP_PAD), jnp.float32),
            jax.ShapeDtypeStruct((b, 1, _NP_PAD), jnp.float32),
        ],
    )(loc_t, priors, conf1, iou0)

    scores = scores[:, 0, :_NP]
    top_scores, order = jax.lax.top_k(scores, _TOP_K)
    boxes_full = jnp.transpose(boxes_t, (0, 2, 1))[:, :_NP, :]
    boxes_k = jnp.take_along_axis(boxes_full, order[:, :, None], axis=1)

    rows = jnp.pad(boxes_k[:, :, :4], ((0, 0), (0, _N_PAD - _TOP_K), (0, 0)))
    cols = jnp.transpose(rows, (0, 2, 1))
    valid = (top_scores > 0.0).astype(jnp.float32)
    valid = jnp.pad(valid, ((0, 0), (0, _N_PAD - _TOP_K)))[:, None, :]

    keep = pl.pallas_call(
        _nms_kernel,
        grid=(b,),
        in_specs=[
            pl.BlockSpec((None, _N_PAD, 4), lambda i: (i, 0, 0)),
            pl.BlockSpec((None, 4, _N_PAD), lambda i: (i, 0, 0)),
            pl.BlockSpec((None, 1, _N_PAD), lambda i: (i, 0, 0)),
        ],
        out_specs=pl.BlockSpec((None, 1, _N_PAD), lambda i: (i, 0, 0)),
        out_shape=jax.ShapeDtypeStruct((b, 1, _N_PAD), jnp.float32),
    )(rows, cols, valid)

    kept = keep[:, 0, :_TOP_K] > 0.5
    final_scores = jnp.where(kept, top_scores, -1.0)
    fs, fidx = jax.lax.top_k(final_scores, _KEEP_TOP_K)
    dets = jnp.take_along_axis(boxes_k, fidx[:, :, None], axis=1)
    sc = jnp.take_along_axis(top_scores, fidx, axis=1)
    out = jnp.concatenate([dets, sc[:, :, None]], axis=-1)
    return out * (fs > 0.0).astype(out.dtype)[:, :, None]

# --- scband reference (transcript-rebuilt; emitter-appended) ---
"""Pipeline reference for scband-face-detector-34007551050117 (READ-ONLY COPY).

The authoritative reference and input builder live on the scoring server;
editing this copy changes nothing except your own understanding.
"""

import jax, jax.numpy as jnp
import numpy as np
import math

H = 512
W = 512
B = 4
MIN_SIZES = [[10, 16, 24], [32, 48], [64, 96], [128, 192, 256]]
STEPS = [8, 16, 32, 64]
VARIANCE = [0.1, 0.2]
TOP_K = 5000
CONF_THR = 0.3
NMS_THR = 0.3
KEEP_TOP_K = 750

N_PRIORS = sum(math.ceil(H / s) * math.ceil(W / s) * len(m) for s, m in zip(STEPS, MIN_SIZES))


def build_priors():
    anchors = []
    for k, step in enumerate(STEPS):
        fh = math.ceil(H / step)
        fw = math.ceil(W / step)
        for i in range(fh):
            for j in range(fw):
                for ms in MIN_SIZES[k]:
                    anchors.append([(j + 0.5) * step / W, (i + 0.5) * step / H, ms / W, ms / H])
    return jnp.asarray(np.array(anchors, dtype=np.float32))


def setup_inputs(seed: int = 0) -> dict:
    key = jax.random.key(seed)
    k1, k2, k3 = jax.random.split(key, 3)
    loc = jax.random.normal(k1, (B, N_PRIORS, 14), dtype=jnp.float32)
    conf = jax.random.uniform(k2, (B, N_PRIORS, 2), dtype=jnp.float32)
    iou = jax.random.uniform(k3, (B, N_PRIORS, 1), dtype=jnp.float32)
    return {"loc": loc, "conf": conf, "iou": iou}


def _decode(loc, priors):
    p_xy = priors[:, 0:2]
    p_wh = priors[:, 2:4]
    cxy = p_xy + loc[:, 0:2] * VARIANCE[0] * p_wh
    wh = p_wh * jnp.exp(loc[:, 2:4] * VARIANCE[1])
    x1y1 = cxy - wh / 2.0
    x2y2 = x1y1 + wh
    lmks = [p_xy + loc[:, s:s + 2] * VARIANCE[0] * p_wh for s in (4, 6, 8, 10, 12)]
    return jnp.concatenate([x1y1, x2y2] + lmks, axis=1)


def _nms_keep(boxes, valid, iou_thr):
    # greedy NMS on score-desc sorted boxes, fixed-shape (returns bool keep mask)
    n = boxes.shape[0]
    x1, y1, x2, y2 = boxes[:, 0], boxes[:, 1], boxes[:, 2], boxes[:, 3]
    areas = (x2 - x1) * (y2 - y1)
    xx1 = jnp.maximum(x1[:, None], x1[None, :])
    yy1 = jnp.maximum(y1[:, None], y1[None, :])
    xx2 = jnp.minimum(x2[:, None], x2[None, :])
    yy2 = jnp.minimum(y2[:, None], y2[None, :])
    inter = jnp.clip(xx2 - xx1, 0.0) * jnp.clip(yy2 - yy1, 0.0)
    iou = inter / (areas[:, None] + areas[None, :] - inter + 1e-12)
    idxs = jnp.arange(n)

    def body(keep, i):
        sup = (iou[i] > iou_thr) & keep[i] & valid[i] & (idxs > i)
        return keep & jnp.logical_not(sup), None

    keep, _ = jax.lax.scan(body, jnp.ones((n,), dtype=bool), jnp.arange(n))
    return keep & valid


def _postprocess_one(loc_b, conf_b, iou_b, priors, scale):
    boxes = _decode(loc_b, priors) * scale
    cls_scores = conf_b[:, 1]
    iou_scores = jnp.clip(iou_b[:, 0], 0.0, 1.0)
    scores = jnp.sqrt(jnp.maximum(cls_scores * iou_scores, 1e-12))
    scores = jnp.where(scores > CONF_THR, scores, -1.0)
    k = min(TOP_K, scores.shape[0])
    top_scores, order = jax.lax.top_k(scores, k)
    boxes_k = jnp.take(boxes, order, axis=0)
    valid = top_scores > 0.0
    keep = _nms_keep(jax.lax.stop_gradient(boxes_k[:, :4]), valid, NMS_THR)
    final_scores = jnp.where(keep, top_scores, -1.0)
    fs, fidx = jax.lax.top_k(jax.lax.stop_gradient(final_scores), KEEP_TOP_K)
    mask = (fs > 0.0).astype(boxes_k.dtype)
    dets = jnp.concatenate([jnp.take(boxes_k, fidx, axis=0), jnp.take(top_scores, fidx)[:, None]], axis=-1)
    return dets * mask[:, None]


def reference(loc, conf, iou):
    priors = build_priors()
    scale = jnp.asarray([W, H] * 7, dtype=jnp.float32)
    outs = [_postprocess_one(loc[b], conf[b], iou[b], priors, scale) for b in range(loc.shape[0])]
    return jnp.stack(outs, axis=0)

if __name__ == "__main__":
    import jax
    _d = setup_inputs()
    print(jax.jit(kernel)(*tuple(_d.values())))

</pallas_src>

<mosaic_0001>
module attributes {stable_mosaic.version = 14 : i64} {
  func.func @_decode_kernel(%arg0: i32, %arg1: memref<1x14x15104xf32, #tpu.memory_space<vmem>>, %arg2: memref<4x15104xf32, #tpu.memory_space<vmem>>, %arg3: memref<1x1x15104xf32, #tpu.memory_space<vmem>>, %arg4: memref<1x1x15104xf32, #tpu.memory_space<vmem>>, %arg5: memref<1x14x15104xf32, #tpu.memory_space<vmem>>, %arg6: memref<1x1x15104xf32, #tpu.memory_space<vmem>>) attributes {dimension_semantics = [#tpu.dimension_semantics<arbitrary>], iteration_bounds = array<i64: 4>, scalar_prefetch = 0 : i64, scratch_operands = 0 : i64, tpu.core_type = #tpu.core_type<tc>, window_params = [{transform_indices = @transform_0, window_bounds = array<i64: 1, 14, 15104>}, {pipeline_mode = #tpu.pipeline_mode<synchronous>, transform_indices = @transform_1, window_bounds = array<i64: 4, 15104>}, {transform_indices = @transform_2, window_bounds = array<i64: 1, 1, 15104>}, {transform_indices = @transform_3, window_bounds = array<i64: 1, 1, 15104>}, {transform_indices = @transform_4, window_bounds = array<i64: 1, 14, 15104>}, {transform_indices = @transform_5, window_bounds = array<i64: 1, 1, 15104>}]} {
    %get3A = arith.constant 0 : index
    %get3A_0 = arith.constant 0 : index
    %get3A_1 = arith.constant 0 : index
    %get3A_2 = vector.load %arg1[%get3A, %get3A_0, %get3A_1] : memref<1x14x15104xf32, #tpu.memory_space<vmem>>, vector<1x14x15104xf32>
    %get3A_3 = vector.shape_cast %get3A_2 : vector<1x14x15104xf32> to vector<14x15104xf32>
    %get3A_4 = arith.constant 0 : index
    %get3A_5 = arith.constant 0 : index
    %get3A_6 = vector.load %arg2[%get3A_4, %get3A_5] : memref<4x15104xf32, #tpu.memory_space<vmem>>, vector<2x15104xf32>
    %get3A_7 = arith.constant 2 : index
    %get3A_8 = arith.constant 0 : index
    %get3A_9 = vector.load %arg2[%get3A_7, %get3A_8] : memref<4x15104xf32, #tpu.memory_space<vmem>>, vector<2x15104xf32>
    %slice3A = vector.extract_strided_slice %get3A_3 {offsets = [0, 0], sizes = [2, 15104], strides = [1, 1]} : vector<14x15104xf32> to vector<2x15104xf32>
    %mul3A = arith.constant 1.000000e-01 : f32
    %mul3A_10 = vector.broadcast %mul3A : f32 to vector<2x15104xf32>
    %mul3A_11 = arith.mulf %slice3A, %mul3A_10 : vector<2x15104xf32>
    %mul3A_12 = arith.mulf %mul3A_11, %get3A_9 : vector<2x15104xf32>
    %add3A = arith.addf %get3A_6, %mul3A_12 : vector<2x15104xf32>
    %slice3A_13 = vector.extract_strided_slice %get3A_3 {offsets = [2, 0], sizes = [2, 15104], strides = [1, 1]} : vector<14x15104xf32> to vector<2x15104xf32>
    %mul3A_14 = arith.constant 2.000000e-01 : f32
    %mul3A_15 = vector.broadcast %mul3A_14 : f32 to vector<2x15104xf32>
    %mul3A_16 = arith.mulf %slice3A_13, %mul3A_15 : vector<2x15104xf32>
    %exp3A = math.exp %mul3A_16 : vector<2x15104xf32>
    %mul3A_17 = arith.mulf %get3A_9, %exp3A : vector<2x15104xf32>
    %mul3A_18 = arith.constant 5.000000e-01 : f32
    %mul3A_19 = vector.broadcast %mul3A_18 : f32 to vector<2x15104xf32>
    %mul3A_20 = arith.mulf %mul3A_17, %mul3A_19 : vector<2x15104xf32>
    %sub3A = arith.subf %add3A, %mul3A_20 : vector<2x15104xf32>
    %add3A_21 = arith.addf %sub3A, %mul3A_17 : vector<2x15104xf32>
    %slice3A_22 = vector.extract_strided_slice %get3A_3 {offsets = [4, 0], sizes = [2, 15104], strides = [1, 1]} : vector<14x15104xf32> to vector<2x15104xf32>
    %mul3A_23 = arith.constant 1.000000e-01 : f32
    %mul3A_24 = vector.broadcast %mul3A_23 : f32 to vector<2x15104xf32>
    %mul3A_25 = arith.mulf %slice3A_22, %mul3A_24 : vector<2x15104xf32>
    %mul3A_26 = arith.mulf %mul3A_25, %get3A_9 : vector<2x15104xf32>
    %add3A_27 = arith.addf %get3A_6, %mul3A_26 : vector<2x15104xf32>
    %slice3A_28 = vector.extract_strided_slice %get3A_3 {offsets = [6, 0], sizes = [2, 15104], strides = [1, 1]} : vector<14x15104xf32> to vector<2x15104xf32>
    %mul3A_29 = arith.constant 1.000000e-01 : f32
    %mul3A_30 = vector.broadcast %mul3A_29 : f32 to vector<2x15104xf32>
    %mul3A_31 = arith.mulf %slice3A_28, %mul3A_30 : vector<2x15104xf32>
    %mul3A_32 = arith.mulf %mul3A_31, %get3A_9 : vector<2x15104xf32>
    %add3A_33 = arith.addf %get3A_6, %mul3A_32 : vector<2x15104xf32>
    %slice3A_34 = vector.extract_strided_slice %get3A_3 {offsets = [8, 0], sizes = [2, 15104], strides = [1, 1]} : vector<14x15104xf32> to vector<2x15104xf32>
    %mul3A_35 = arith.constant 1.000000e-01 : f32
    %mul3A_36 = vector.broadcast %mul3A_35 : f32 to vector<2x15104xf32>
    %mul3A_37 = arith.mulf %slice3A_34, %mul3A_36 : vector<2x15104xf32>
    %mul3A_38 = arith.mulf %mul3A_37, %get3A_9 : vector<2x15104xf32>
    %add3A_39 = arith.addf %get3A_6, %mul3A_38 : vector<2x15104xf32>
    %slice3A_40 = vector.extract_strided_slice %get3A_3 {offsets = [10, 0], sizes = [2, 15104], strides = [1, 1]} : vector<14x15104xf32> to vector<2x15104xf32>
    %mul3A_41 = arith.constant 1.000000e-01 : f32
    %mul3A_42 = vector.broadcast %mul3A_41 : f32 to vector<2x15104xf32>
    %mul3A_43 = arith.mulf %slice3A_40, %mul3A_42 : vector<2x15104xf32>
    %mul3A_44 = arith.mulf %mul3A_43, %get3A_9 : vector<2x15104xf32>
    %add3A_45 = arith.addf %get3A_6, %mul3A_44 : vector<2x15104xf32>
    %slice3A_46 = vector.extract_strided_slice %get3A_3 {offsets = [12, 0], sizes = [2, 15104], strides = [1, 1]} : vector<14x15104xf32> to vector<2x15104xf32>
    %mul3A_47 = arith.constant 1.000000e-01 : f32
    %mul3A_48 = vector.broadcast %mul3A_47 : f32 to vector<2x15104xf32>
    %mul3A_49 = arith.mulf %slice3A_46, %mul3A_48 : vector<2x15104xf32>
    %mul3A_50 = arith.mulf %mul3A_49, %get3A_9 : vector<2x15104xf32>
    %add3A_51 = arith.addf %get3A_6, %mul3A_50 : vector<2x15104xf32>
    %concatenate3A = tpu.concatenate %sub3A, %add3A_21, %add3A_27, %add3A_33, %add3A_39, %add3A_45, %add3A_51 in 0 : vector<2x15104xf32>, vector<2x15104xf32>, vector<2x15104xf32>, vector<2x15104xf32>, vector<2x15104xf32>, vector<2x15104xf32>, vector<2x15104xf32> -> vector<14x15104xf32>
    %mul3A_52 = arith.constant 5.120000e+02 : f32
    %mul3A_53 = vector.broadcast %mul3A_52 : f32 to vector<14x15104xf32>
    %mul3A_54 = arith.mulf %concatenate3A, %mul3A_53 : vector<14x15104xf32>
    %swap3A = arith.constant 0 : index
    %swap3A_55 = arith.constant 0 : index
    %swap3A_56 = arith.constant 0 : index
    %swap3A_57 = vector.load %arg5[%swap3A, %swap3A_55, %swap3A_56] : memref<1x14x15104xf32, #tpu.memory_space<vmem>>, vector<1x14x15104xf32>
    %swap3A_58 = vector.shape_cast %swap3A_57 : vector<1x14x15104xf32> to vector<14x15104xf32>
    %swap3A_59 = vector.shape_cast %mul3A_54 : vector<14x15104xf32> to vector<1x14x15104xf32>
    tpu.vector_store %arg5[%swap3A, %swap3A_55, %swap3A_56], %swap3A_59 {strides = array<i32>} : memref<1x14x15104xf32, #tpu.memory_space<vmem>>, vector<1x14x15104xf32>,
    %get3A_60 = arith.constant 0 : index
    %get3A_61 = arith.constant 0 : index
    %get3A_62 = arith.constant 0 : index
    %get3A_63 = vector.load %arg3[%get3A_60, %get3A_61, %get3A_62] : memref<1x1x15104xf32, #tpu.memory_space<vmem>>, vector<1x1x15104xf32>
    %get3A_64 = vector.shape_cast %get3A_63 : vector<1x1x15104xf32> to vector<1x15104xf32>
    %get3A_65 = arith.constant 0 : index
    %get3A_66 = arith.constant 0 : index
    %get3A_67 = arith.constant 0 : index
    %get3A_68 = vector.load %arg4[%get3A_65, %get3A_66, %get3A_67] : memref<1x1x15104xf32, #tpu.memory_space<vmem>>, vector<1x1x15104xf32>
    %get3A_69 = vector.shape_cast %get3A_68 : vector<1x1x15104xf32> to vector<1x15104xf32>
    %jit3A = arith.constant 0.000000e+00 : f32
    %jit3A_70 = arith.constant 1.000000e+00 : f32
    %max3A = vector.broadcast %jit3A : f32 to vector<1x15104xf32>
    %max3A_71 = arith.maximumf %max3A, %get3A_69 : vector<1x15104xf32>
    %min3A = vector.broadcast %jit3A_70 : f32 to vector<1x15104xf32>
    %min3A_72 = arith.minimumf %min3A, %max3A_71 : vector<1x15104xf32>
    %mul3A_73 = arith.mulf %get3A_64, %min3A_72 : vector<1x15104xf32>
    %max3A_74 = arith.constant 9.99999996E-13 : f32
    %max3A_75 = vector.broadcast %max3A_74 : f32 to vector<1x15104xf32>
    %max3A_76 = arith.maximumf %mul3A_73, %max3A_75 : vector<1x15104xf32>
    %sqrt3A = math.sqrt %max3A_76 : vector<1x15104xf32>
    %gt3A = arith.constant 3.000000e-01 : f32
    %gt3A_77 = vector.broadcast %gt3A : f32 to vector<1x15104xf32>
    %gt3A_78 = arith.cmpf ogt, %sqrt3A, %gt3A_77 : vector<1x15104xf32>
    %jit3A_79 = arith.constant -1.000000e+00 : f32
    %broadcast_in_dim3A = vector.broadcast %jit3A_79 : f32 to vector<1x15104xf32>
    %select_n3A = arith.select %gt3A_78, %sqrt3A, %broadcast_in_dim3A : vector<1x15104xi1>, vector<1x15104xf32>
    %swap3A_80 = arith.constant 0 : index
    %swap3A_81 = arith.constant 0 : index
    %swap3A_82 = arith.constant 0 : index
    %swap3A_83 = vector.load %arg6[%swap3A_80, %swap3A_81, %swap3A_82] : memref<1x1x15104xf32, #tpu.memory_space<vmem>>, vector<1x1x15104xf32>
    %swap3A_84 = vector.shape_cast %swap3A_83 : vector<1x1x15104xf32> to vector<1x15104xf32>
    %swap3A_85 = vector.shape_cast %select_n3A : vector<1x15104xf32> to vector<1x1x15104xf32>
    tpu.vector_store %arg6[%swap3A_80, %swap3A_81, %swap3A_82], %swap3A_85 {strides = array<i32>} : memref<1x1x15104xf32, #tpu.memory_space<vmem>>, vector<1x1x15104xf32>,
    return
  }
  func.func @transform_0(%arg0: i32) -> (i32, i32, i32) {
    %c0_i32 = arith.constant 0 : i32
    %c0_i32_0 = arith.constant 0 : i32
    %c0_i32_1 = arith.constant 0 : i32
    return %arg0, %c0_i32, %c0_i32_0 : i32, i32, i32
  }
  func.func @transform_1(%arg0: i32) -> (i32, i32) {
    %c0_i32 = arith.constant 0 : i32
    %c0_i32_0 = arith.constant 0 : i32
    %c0_i32_1 = arith.constant 0 : i32
    return %c0_i32, %c0_i32_0 : i32, i32
  }
  func.func @transform_2(%arg0: i32) -> (i32, i32, i32) {
    %c0_i32 = arith.constant 0 : i32
    %c0_i32_0 = arith.constant 0 : i32
    %c0_i32_1 = arith.constant 0 : i32
    return %arg0, %c0_i32, %c0_i32_0 : i32, i32, i32
  }
  func.func @transform_3(%arg0: i32) -> (i32, i32, i32) {
    %c0_i32 = arith.constant 0 : i32
    %c0_i32_0 = arith.constant 0 : i32
    %c0_i32_1 = arith.constant 0 : i32
    return %arg0, %c0_i32, %c0_i32_0 : i32, i32, i32
  }
  func.func @transform_4(%arg0: i32) -> (i32, i32, i32) {
    %c0_i32 = arith.constant 0 : i32
    %c0_i32_0 = arith.constant 0 : i32
    %c0_i32_1 = arith.constant 0 : i32
    return %arg0, %c0_i32, %c0_i32_0 : i32, i32, i32
  }
  func.func @transform_5(%arg0: i32) -> (i32, i32, i32) {
    %c0_i32 = arith.constant 0 : i32
    %c0_i32_0 = arith.constant 0 : i32
    %c0_i32_1 = arith.constant 0 : i32
    return %arg0, %c0_i32, %c0_i32_0 : i32, i32, i32
  }
}

module attributes {stable_mosaic.version = 14 : i64} {
  func.func @_nms_kernel(%arg0: i32, %arg1: memref<1x5120x4xf32, #tpu.memory_space<vmem>>, %arg2: memref<1x4x5120xf32, #tpu.memory_space<vmem>>, %arg3: memref<1x1x5120xf32, #tpu.memory_space<vmem>>, %arg4: memref<1x1x5120xf32, #tpu.memory_space<vmem>>) attributes {dimension_semantics = [#tpu.dimension_semantics<arbitrary>], iteration_bounds = array<i64: 4>, scalar_prefetch = 0 : i64, scratch_operands = 0 : i64, tpu.core_type = #tpu.core_type<tc>, window_params = [{transform_indices = @transform_0, window_bounds = array<i64: 1, 5120, 4>}, {transform_indices = @transform_1, window_bounds = array<i64: 1, 4, 5120>}, {transform_indices = @transform_2, window_bounds = array<i64: 1, 1, 5120>}, {transform_indices = @transform_3, window_bounds = array<i64: 1, 1, 5120>}]} {
    %iota3A = tpu.iota {dimensions = array<i32: 1>} : vector<1x512xi32>
    %iota3A_0 = tpu.iota {dimensions = array<i32: 0>} : vector<256x256xi32>
    %iota3A_1 = tpu.iota {dimensions = array<i32: 1>} : vector<256x256xi32>
    %lt3A = arith.cmpi slt, %iota3A_0, %iota3A_1 : vector<256x256xi32>
    %convert_element_type3A = arith.extui %lt3A : vector<256x256xi1> to vector<256x256xi32>
    %convert_element_type3A_2 = arith.sitofp %convert_element_type3A : vector<256x256xi32> to vector<256x256xf32>
    %get3A = arith.constant 0 : index
    %get3A_3 = arith.constant 0 : index
    %get3A_4 = arith.constant 0 : index
    %get3A_5 = vector.load %arg3[%get3A, %get3A_3, %get3A_4] : memref<1x1x5120xf32, #tpu.memory_space<vmem>>, vector<1x1x5120xf32>
    %get3A_6 = vector.shape_cast %get3A_5 : vector<1x1x5120xf32> to vector<1x5120xf32>
    %swap3A = arith.constant 0 : index
    %swap3A_7 = arith.constant 0 : index
    %swap3A_8 = arith.constant 0 : index
    %swap3A_9 = vector.load %arg4[%swap3A, %swap3A_7, %swap3A_8] : memref<1x1x5120xf32, #tpu.memory_space<vmem>>, vector<1x1x5120xf32>
    %swap3A_10 = vector.shape_cast %swap3A_9 : vector<1x1x5120xf32> to vector<1x5120xf32>
    %swap3A_11 = vector.shape_cast %get3A_6 : vector<1x5120xf32> to vector<1x1x5120xf32>
    tpu.vector_store %arg4[%swap3A, %swap3A_7, %swap3A_8], %swap3A_11 {strides = array<i32>} : memref<1x1x5120xf32, #tpu.memory_space<vmem>>, vector<1x1x5120xf32>,
    %scan3A = arith.constant 0 : i32
    %scan3A_12 = arith.constant 20 : i32
    %scan3A_13 = arith.addi %scan3A, %scan3A_12 : i32
    %scan3A_14 = arith.constant 1 : i32
    scf.for %scan3A_16 = %scan3A to %scan3A_13 step %scan3A_14  : i32 {
      %mul3A = arith.constant 256 : i32
      %mul3A_17 = arith.muli %scan3A_16, %mul3A : i32
      %get3A_18 = arith.constant 0 : index
      %get3A_19 = arith.index_cast %mul3A_17 : i32 to index
      %get3A_20 = arith.constant 0 : index
      %get3A_21 = vector.load %arg1[%get3A_18, %get3A_19, %get3A_20] : memref<1x5120x4xf32, #tpu.memory_space<vmem>>, vector<1x256x4xf32>
      %get3A_22 = vector.shape_cast %get3A_21 : vector<1x256x4xf32> to vector<256x4xf32>
      %slice3A = vector.extract_strided_slice %get3A_22 {offsets = [0, 0], sizes = [256, 1], strides = [1, 1]} : vector<256x4xf32> to vector<256x1xf32>
      %slice3A_23 = vector.extract_strided_slice %get3A_22 {offsets = [0, 1], sizes = [256, 1], strides = [1, 1]} : vector<256x4xf32> to vector<256x1xf32>
      %slice3A_24 = vector.extract_strided_slice %get3A_22 {offsets = [0, 2], sizes = [256, 1], strides = [1, 1]} : vector<256x4xf32> to vector<256x1xf32>
      %slice3A_25 = vector.extract_strided_slice %get3A_22 {offsets = [0, 3], sizes = [256, 1], strides = [1, 1]} : vector<256x4xf32> to vector<256x1xf32>
      %sub3A = arith.subf %slice3A_24, %slice3A : vector<256x1xf32>
      %sub3A_26 = arith.subf %slice3A_25, %slice3A_23 : vector<256x1xf32>
      %mul3A_27 = arith.mulf %sub3A, %sub3A_26 : vector<256x1xf32>
      %mul3A_28 = arith.constant 256 : i32
      %mul3A_29 = arith.muli %scan3A_16, %mul3A_28 : i32
      %get3A_30 = arith.constant 0 : index
      %get3A_31 = arith.constant 0 : index
      %get3A_32 = arith.index_cast %mul3A_29 : i32 to index
      %get3A_33 = vector.load %arg2[%get3A_30, %get3A_31, %get3A_32] : memref<1x4x5120xf32, #tpu.memory_space<vmem>>, vector<1x1x256xf32>
      %get3A_34 = vector.shape_cast %get3A_33 : vector<1x1x256xf32> to vector<1x256xf32>
      %mul3A_35 = arith.constant 256 : i32
      %mul3A_36 = arith.muli %scan3A_16, %mul3A_35 : i32
      %get3A_37 = arith.constant 0 : index
      %get3A_38 = arith.constant 1 : index
      %get3A_39 = arith.index_cast %mul3A_36 : i32 to index
      %get3A_40 = vector.load %arg2[%get3A_37, %get3A_38, %get3A_39] : memref<1x4x5120xf32, #tpu.memory_space<vmem>>, vector<1x1x256xf32>
      %get3A_41 = vector.shape_cast %get3A_40 : vector<1x1x256xf32> to vector<1x256xf32>
      %mul3A_42 = arith.constant 256 : i32
      %mul3A_43 = arith.muli %scan3A_16, %mul3A_42 : i32
      %get3A_44 = arith.constant 0 : index
      %get3A_45 = arith.constant 2 : index
      %get3A_46 = arith.index_cast %mul3A_43 : i32 to index
      %get3A_47 = vector.load %arg2[%get3A_44, %get3A_45, %get3A_46] : memref<1x4x5120xf32, #tpu.memory_space<vmem>>, vector<1x1x256xf32>
      %get3A_48 = vector.shape_cast %get3A_47 : vector<1x1x256xf32> to vector<1x256xf32>
      %mul3A_49 = arith.constant 256 : i32
      %mul3A_50 = arith.muli %scan3A_16, %mul3A_49 : i32
      %get3A_51 = arith.constant 0 : index
      %get3A_52 = arith.constant 3 : index
      %get3A_53 = arith.index_cast %mul3A_50 : i32 to index
      %get3A_54 = vector.load %arg2[%get3A_51, %get3A_52, %get3A_53] : memref<1x4x5120xf32, #tpu.memory_space<vmem>>, vector<1x1x256xf32>
      %get3A_55 = vector.shape_cast %get3A_54 : vector<1x1x256xf32> to vector<1x256xf32>
      %sub3A_56 = arith.subf %get3A_48, %get3A_34 : vector<1x256xf32>
      %sub3A_57 = arith.subf %get3A_55, %get3A_41 : vector<1x256xf32>
      %mul3A_58 = arith.mulf %sub3A_56, %sub3A_57 : vector<1x256xf32>
      %min3A = vector.broadcast %slice3A_24 : vector<256x1xf32> to vector<256x256xf32>
      %min3A_59 = vector.broadcast %get3A_48 : vector<1x256xf32> to vector<256x256xf32>
      %min3A_60 = arith.minimumf %min3A, %min3A_59 : vector<256x256xf32>
      %max3A = vector.broadcast %slice3A : vector<256x1xf32> to vector<256x256xf32>
      %max3A_61 = vector.broadcast %get3A_34 : vector<1x256xf32> to vector<256x256xf32>
      %max3A_62 = arith.maximumf %max3A, %max3A_61 : vector<256x256xf32>
      %sub3A_63 = arith.subf %min3A_60, %max3A_62 : vector<256x256xf32>
      %max3A_64 = arith.constant 0.000000e+00 : f32
      %max3A_65 = vector.broadcast %max3A_64 : f32 to vector<256x256xf32>
      %max3A_66 = arith.maximumf %sub3A_63, %max3A_65 : vector<256x256xf32>
      %min3A_67 = vector.broadcast %slice3A_25 : vector<256x1xf32> to vector<256x256xf32>
      %min3A_68 = vector.broadcast %get3A_55 : vector<1x256xf32> to vector<256x256xf32>
      %min3A_69 = arith.minimumf %min3A_67, %min3A_68 : vector<256x256xf32>
      %max3A_70 = vector.broadcast %slice3A_23 : vector<256x1xf32> to vector<256x256xf32>
      %max3A_71 = vector.broadcast %get3A_41 : vector<1x256xf32> to vector<256x256xf32>
      %max3A_72 = arith.maximumf %max3A_70, %max3A_71 : vector<256x256xf32>
      %sub3A_73 = arith.subf %min3A_69, %max3A_72 : vector<256x256xf32>
      %max3A_74 = arith.constant 0.000000e+00 : f32
      %max3A_75 = vector.broadcast %max3A_74 : f32 to vector<256x256xf32>
      %max3A_76 = arith.maximumf %sub3A_73, %max3A_75 : vector<256x256xf32>
      %mul3A_77 = arith.mulf %max3A_66, %max3A_76 : vector<256x256xf32>
      %add3A = vector.broadcast %mul3A_27 : vector<256x1xf32> to vector<256x256xf32>
      %add3A_78 = vector.broadcast %mul3A_58 : vector<1x256xf32> to vector<256x256xf32>
      %add3A_79 = arith.addf %add3A, %add3A_78 : vector<256x256xf32>
      %sub3A_80 = arith.subf %add3A_79, %mul3A_77 : vector<256x256xf32>
      %add3A_81 = arith.constant 9.99999996E-13 : f32
      %add3A_82 = vector.broadcast %add3A_81 : f32 to vector<256x256xf32>
      %add3A_83 = arith.addf %sub3A_80, %add3A_82 : vector<256x256xf32>
      %div3A = arith.divf %mul3A_77, %add3A_83 : vector<256x256xf32>
      %gt3A = arith.constant 3.000000e-01 : f32
      %gt3A_84 = vector.broadcast %gt3A : f32 to vector<256x256xf32>
      %gt3A_85 = arith.cmpf ogt, %div3A, %gt3A_84 : vector<256x256xf32>
      %convert_element_type3A_86 = arith.extui %gt3A_85 : vector<256x256xi1> to vector<256x256xi32>
      %convert_element_type3A_87 = arith.sitofp %convert_element_type3A_86 : vector<256x256xi32> to vector<256x256xf32>
      %mul3A_88 = arith.mulf %convert_element_type3A_87, %convert_element_type3A_2 : vector<256x256xf32>
      %mul3A_89 = arith.constant 256 : i32
      %mul3A_90 = arith.muli %scan3A_16, %mul3A_89 : i32
      %get3A_91 = arith.constant 0 : index
      %get3A_92 = arith.constant 0 : index
      %get3A_93 = arith.index_cast %mul3A_90 : i32 to index
      %get3A_94 = vector.load %arg4[%get3A_91, %get3A_92, %get3A_93] : memref<1x1x5120xf32, #tpu.memory_space<vmem>>, vector<1x1x256xf32>
      %get3A_95 = vector.shape_cast %get3A_94 : vector<1x1x256xf32> to vector<1x256xf32>
      %while3A = arith.constant true
      %while3A_96:2 = scf.while (%while3A_137 = %get3A_95, %while3A_138 = %while3A) : (vector<1x256xf32>, i1) -> (vector<1x256xf32>, i1) {
        scf.condition(%while3A_138) %while3A_137, %while3A_138 : vector<1x256xf32>, i1
      } do {
      ^bb0(%while3A_137: vector<1x256xf32>, %while3A_138: i1):
        %dot_general3A = arith.constant dense<0.000000e+00> : vector<1x256xf32>
        %dot_general3A_139 = tpu.matmul %while3A_137, %mul3A_88, %dot_general3A {dimension_numbers = #tpu.dot_dimension_numbers<[1], [0], [0], [1], [0, 0, 1, 1], [], []>, transpose_lhs_hint = false} : vector<1x256xf32>, vector<256x256xf32>, vector<1x256xf32> -> vector<1x256xf32>
        %gt3A_140 = arith.constant 0.000000e+00 : f32
        %gt3A_141 = vector.broadcast %gt3A_140 : f32 to vector<1x256xf32>
        %gt3A_142 = arith.cmpf ogt, %dot_general3A_139, %gt3A_141 : vector<1x256xf32>
        %jit3A_143 = arith.constant 0.000000e+00 : f32
        %jit3A_144 = arith.constant 1.000000e+00 : f32
        %broadcast_in_dim3A = vector.broadcast %jit3A_143 : f32 to vector<1x256xf32>
        %broadcast_in_dim3A_145 = vector.broadcast %jit3A_144 : f32 to vector<1x256xf32>
        %select_n3A_146 = arith.select %gt3A_142, %broadcast_in_dim3A, %broadcast_in_dim3A_145 : vector<1x256xi1>, vector<1x256xf32>
        %mul3A_147 = arith.mulf %get3A_95, %select_n3A_146 : vector<1x256xf32>
        %ne3A_148 = arith.cmpf one, %mul3A_147, %while3A_137 : vector<1x256xf32>
        %reduce_or3A = arith.constant 1.000000e+00 : f32
        %reduce_or3A_149 = arith.constant 0.000000e+00 : f32
        %reduce_or3A_150 = vector.broadcast %reduce_or3A : f32 to vector<1x256xf32>
        %reduce_or3A_151 = vector.broadcast %reduce_or3A_149 : f32 to vector<1x256xf32>
        %reduce_or3A_152 = arith.select %ne3A_148, %reduce_or3A_150, %reduce_or3A_151 : vector<1x256xi1>, vector<1x256xf32>
        %reduce_or3A_153 = vector.shape_cast %reduce_or3A_152 : vector<1x256xf32> to vector<1x1x256xf32>
        %reduce_or3A_154 = arith.constant dense<0xFF800000> : vector<1xf32>
        %reduce_or3A_155 = vector.multi_reduction <maximumf>, %reduce_or3A_153, %reduce_or3A_154 [1, 2] : vector<1x1x256xf32> to vector<1xf32>
        %reduce_or3A_156 = vector.shape_cast %reduce_or3A_155 : vector<1xf32> to vector<1x1x1xf32>
        %reduce_or3A_157 = vector.extract %reduce_or3A_156[0, 0, 0] : f32 from vector<1x1x1xf32>
        %reduce_or3A_158 = arith.constant 0.000000e+00 : f32
        %reduce_or3A_159 = arith.cmpf ogt, %reduce_or3A_157, %reduce_or3A_158 : f32
        scf.yield %mul3A_147, %reduce_or3A_159 : vector<1x256xf32>, i1
      }
      %mul3A_97 = arith.constant 256 : i32
      %mul3A_98 = arith.muli %scan3A_16, %mul3A_97 : i32
      %swap3A_99 = arith.constant 0 : index
      %swap3A_100 = arith.constant 0 : index
      %swap3A_101 = arith.index_cast %mul3A_98 : i32 to index
      %swap3A_102 = vector.load %arg4[%swap3A_99, %swap3A_100, %swap3A_101] : memref<1x1x5120xf32, #tpu.memory_space<vmem>>, vector<1x1x256xf32>
      %swap3A_103 = vector.shape_cast %swap3A_102 : vector<1x1x256xf32> to vector<1x256xf32>
      %swap3A_104 = vector.shape_cast %while3A_96#0 : vector<1x256xf32> to vector<1x1x256xf32>
      tpu.vector_store %arg4[%swap3A_99, %swap3A_100, %swap3A_101], %swap3A_104 {strides = array<i32>} : memref<1x1x5120xf32, #tpu.memory_space<vmem>>, vector<1x1x256xf32>,
      %add3A_105 = arith.constant 1 : i32
      %add3A_106 = arith.addi %scan3A_16, %add3A_105 : i32
      %mul3A_107 = arith.constant 256 : i32
      %mul3A_108 = arith.muli %add3A_106, %mul3A_107 : i32
      %jit3A = arith.constant 512 : i32
      %div3A_109 = arith.divsi %mul3A_108, %jit3A : i32
      %sign3A = arith.constant 0 : i32
      %sign3A_110 = arith.cmpi sgt, %mul3A_108, %sign3A : i32
      %sign3A_111 = arith.extui %sign3A_110 : i1 to i32
      %sign3A_112 = arith.constant 0 : i32
      %sign3A_113 = arith.cmpi slt, %mul3A_108, %sign3A_112 : i32
      %sign3A_114 = arith.extui %sign3A_113 : i1 to i32
      %sign3A_115 = arith.subi %sign3A_111, %sign3A_114 : i32
      %sign3A_116 = arith.constant 0 : i32
      %sign3A_117 = arith.cmpi sgt, %jit3A, %sign3A_116 : i32
      %sign3A_118 = arith.extui %sign3A_117 : i1 to i32
      %sign3A_119 = arith.constant 0 : i32
      %sign3A_120 = arith.cmpi slt, %jit3A, %sign3A_119 : i32
      %sign3A_121 = arith.extui %sign3A_120 : i1 to i32
      %sign3A_122 = arith.subi %sign3A_118, %sign3A_121 : i32
      %ne3A = arith.cmpi ne, %sign3A_115, %sign3A_122 : i32
      %rem3A = arith.remsi %mul3A_108, %jit3A : i32
      %ne3A_123 = arith.constant 0 : i32
      %ne3A_124 = arith.cmpi ne, %rem3A, %ne3A_123 : i32
      %and3A = arith.andi %ne3A, %ne3A_124 : i1
      %sub3A_125 = arith.constant 1 : i32
      %sub3A_126 = arith.subi %div3A_109, %sub3A_125 : i32
      %select_n3A = arith.select %and3A, %sub3A_126, %div3A_109 : i32
      %while3A_127 = arith.constant 0 : i32
      %while3A_128 = arith.constant 10 : i32
      %while3A_129 = arith.subi %while3A_128, %select_n3A : i32
      %while3A_130 = arith.addi %select_n3A, %while3A_129 : i32
      %while3A_131 = arith.constant 1 : i32
      %while3A_132 = arith.divsi %while3A_129, %while3A_131 : i32
      %while3A_133 = arith.muli %while3A_132, %while3A_131 : i32
      %while3A_134 = arith.addi %select_n3A, %while3A_133 : i32
      %while3A_135 = arith.constant 1 : i32
      scf.for %while3A_137 = %select_n3A to %while3A_134 step %while3A_135  : i32 {
        %mul3A_138 = arith.constant 512 : i32
        %mul3A_139 = arith.muli %while3A_137, %mul3A_138 : i32
        %get3A_140 = arith.constant 0 : index
        %get3A_141 = arith.constant 0 : index
        %get3A_142 = arith.index_cast %mul3A_139 : i32 to index
        %get3A_143 = vector.load %arg2[%get3A_140, %get3A_141, %get3A_142] : memref<1x4x5120xf32, #tpu.memory_space<vmem>>, vector<1x1x512xf32>
        %get3A_144 = vector.shape_cast %get3A_143 : vector<1x1x512xf32> to vector<1x512xf32>
        %mul3A_145 = arith.constant 512 : i32
        %mul3A_146 = arith.muli %while3A_137, %mul3A_145 : i32
        %get3A_147 = arith.constant 0 : index
        %get3A_148 = arith.constant 1 : index
        %get3A_149 = arith.index_cast %mul3A_146 : i32 to index
        %get3A_150 = vector.load %arg2[%get3A_147, %get3A_148, %get3A_149] : memref<1x4x5120xf32, #tpu.memory_space<vmem>>, vector<1x1x512xf32>
        %get3A_151 = vector.shape_cast %get3A_150 : vector<1x1x512xf32> to vector<1x512xf32>
        %mul3A_152 = arith.constant 512 : i32
        %mul3A_153 = arith.muli %while3A_137, %mul3A_152 : i32
        %get3A_154 = arith.constant 0 : index
        %get3A_155 = arith.constant 2 : index
        %get3A_156 = arith.index_cast %mul3A_153 : i32 to index
        %get3A_157 = vector.load %arg2[%get3A_154, %get3A_155, %get3A_156] : memref<1x4x5120xf32, #tpu.memory_space<vmem>>, vector<1x1x512xf32>
        %get3A_158 = vector.shape_cast %get3A_157 : vector<1x1x512xf32> to vector<1x512xf32>
        %mul3A_159 = arith.constant 512 : i32
        %mul3A_160 = arith.muli %while3A_137, %mul3A_159 : i32
        %get3A_161 = arith.constant 0 : index
        %get3A_162 = arith.constant 3 : index
        %get3A_163 = arith.index_cast %mul3A_160 : i32 to index
        %get3A_164 = vector.load %arg2[%get3A_161, %get3A_162, %get3A_163] : memref<1x4x5120xf32, #tpu.memory_space<vmem>>, vector<1x1x512xf32>
        %get3A_165 = vector.shape_cast %get3A_164 : vector<1x1x512xf32> to vector<1x512xf32>
        %sub3A_166 = arith.subf %get3A_158, %get3A_144 : vector<1x512xf32>
        %sub3A_167 = arith.subf %get3A_165, %get3A_151 : vector<1x512xf32>
        %mul3A_168 = arith.mulf %sub3A_166, %sub3A_167 : vector<1x512xf32>
        %min3A_169 = vector.broadcast %slice3A_24 : vector<256x1xf32> to vector<256x512xf32>
        %min3A_170 = vector.broadcast %get3A_158 : vector<1x512xf32> to vector<256x512xf32>
        %min3A_171 = arith.minimumf %min3A_169, %min3A_170 : vector<256x512xf32>
        %max3A_172 = vector.broadcast %slice3A : vector<256x1xf32> to vector<256x512xf32>
        %max3A_173 = vector.broadcast %get3A_144 : vector<1x512xf32> to vector<256x512xf32>
        %max3A_174 = arith.maximumf %max3A_172, %max3A_173 : vector<256x512xf32>
        %sub3A_175 = arith.subf %min3A_171, %max3A_174 : vector<256x512xf32>
        %max3A_176 = arith.constant 0.000000e+00 : f32
        %max3A_177 = vector.broadcast %max3A_176 : f32 to vector<256x512xf32>
        %max3A_178 = arith.maximumf %sub3A_175, %max3A_177 : vector<256x512xf32>
        %min3A_179 = vector.broadcast %slice3A_25 : vector<256x1xf32> to vector<256x512xf32>
        %min3A_180 = vector.broadcast %get3A_165 : vector<1x512xf32> to vector<256x512xf32>
        %min3A_181 = arith.minimumf %min3A_179, %min3A_180 : vector<256x512xf32>
        %max3A_182 = vector.broadcast %slice3A_23 : vector<256x1xf32> to vector<256x512xf32>
        %max3A_183 = vector.broadcast %get3A_151 : vector<1x512xf32> to vector<256x512xf32>
        %max3A_184 = arith.maximumf %max3A_182, %max3A_183 : vector<256x512xf32>
        %sub3A_185 = arith.subf %min3A_181, %max3A_184 : vector<256x512xf32>
        %max3A_186 = arith.constant 0.000000e+00 : f32
        %max3A_187 = vector.broadcast %max3A_186 : f32 to vector<256x512xf32>
        %max3A_188 = arith.maximumf %sub3A_185, %max3A_187 : vector<256x512xf32>
        %mul3A_189 = arith.mulf %max3A_178, %max3A_188 : vector<256x512xf32>
        %add3A_190 = vector.broadcast %mul3A_27 : vector<256x1xf32> to vector<256x512xf32>
        %add3A_191 = vector.broadcast %mul3A_168 : vector<1x512xf32> to vector<256x512xf32>
        %add3A_192 = arith.addf %add3A_190, %add3A_191 : vector<256x512xf32>
        %sub3A_193 = arith.subf %add3A_192, %mul3A_189 : vector<256x512xf32>
        %add3A_194 = arith.constant 9.99999996E-13 : f32
        %add3A_195 = vector.broadcast %add3A_194 : f32 to vector<256x512xf32>
        %add3A_196 = arith.addf %sub3A_193, %add3A_195 : vector<256x512xf32>
        %div3A_197 = arith.divf %mul3A_189, %add3A_196 : vector<256x512xf32>
        %gt3A_198 = arith.constant 3.000000e-01 : f32
        %gt3A_199 = vector.broadcast %gt3A_198 : f32 to vector<256x512xf32>
        %gt3A_200 = arith.cmpf ogt, %div3A_197, %gt3A_199 : vector<256x512xf32>
        %convert_element_type3A_201 = arith.extui %gt3A_200 : vector<256x512xi1> to vector<256x512xi32>
        %convert_element_type3A_202 = arith.sitofp %convert_element_type3A_201 : vector<256x512xi32> to vector<256x512xf32>
        %dot_general3A = arith.constant dense<0.000000e+00> : vector<1x512xf32>
        %dot_general3A_203 = tpu.matmul %while3A_96#0, %convert_element_type3A_202, %dot_general3A {dimension_numbers = #tpu.dot_dimension_numbers<[1], [0], [0], [1], [0, 0, 1, 1], [], []>, transpose_lhs_hint = false} : vector<1x256xf32>, vector<256x512xf32>, vector<1x512xf32> -> vector<1x512xf32>
        %gt3A_204 = arith.constant 0.000000e+00 : f32
        %gt3A_205 = vector.broadcast %gt3A_204 : f32 to vector<1x512xf32>
        %gt3A_206 = arith.cmpf ogt, %dot_general3A_203, %gt3A_205 : vector<1x512xf32>
        %mul3A_207 = arith.constant 512 : i32
        %mul3A_208 = arith.muli %while3A_137, %mul3A_207 : i32
        %add3A_209 = vector.broadcast %mul3A_208 : i32 to vector<1x512xi32>
        %add3A_210 = arith.addi %iota3A, %add3A_209 : vector<1x512xi32>
        %add3A_211 = arith.constant 1 : i32
        %add3A_212 = arith.addi %scan3A_16, %add3A_211 : i32
        %mul3A_213 = arith.constant 256 : i32
        %mul3A_214 = arith.muli %add3A_212, %mul3A_213 : i32
        %ge3A = vector.broadcast %mul3A_214 : i32 to vector<1x512xi32>
        %ge3A_215 = arith.cmpi sge, %add3A_210, %ge3A : vector<1x512xi32>
        %and3A_216 = arith.andi %gt3A_206, %ge3A_215 : vector<1x512xi1>
        %mul3A_217 = arith.constant 512 : i32
        %mul3A_218 = arith.muli %while3A_137, %mul3A_217 : i32
        %get3A_219 = arith.constant 0 : index
        %get3A_220 = arith.constant 0 : index
        %get3A_221 = arith.index_cast %mul3A_218 : i32 to index
        %get3A_222 = vector.load %arg4[%get3A_219, %get3A_220, %get3A_221] : memref<1x1x5120xf32, #tpu.memory_space<vmem>>, vector<1x1x512xf32>
        %get3A_223 = vector.shape_cast %get3A_222 : vector<1x1x512xf32> to vector<1x512xf32>
        %convert_element_type3A_224 = arith.extui %and3A_216 : vector<1x512xi1> to vector<1x512xi32>
        %convert_element_type3A_225 = arith.sitofp %convert_element_type3A_224 : vector<1x512xi32> to vector<1x512xf32>
        %sub3A_226 = arith.constant 1.000000e+00 : f32
        %sub3A_227 = vector.broadcast %sub3A_226 : f32 to vector<1x512xf32>
        %sub3A_228 = arith.subf %sub3A_227, %convert_element_type3A_225 : vector<1x512xf32>
        %mul3A_229 = arith.mulf %get3A_223, %sub3A_228 : vector<1x512xf32>
        %mul3A_230 = arith.constant 512 : i32
        %mul3A_231 = arith.muli %while3A_137, %mul3A_230 : i32
        %swap3A_232 = arith.constant 0 : index
        %swap3A_233 = arith.constant 0 : index
        %swap3A_234 = arith.index_cast %mul3A_231 : i32 to index
        %swap3A_235 = vector.load %arg4[%swap3A_232, %swap3A_233, %swap3A_234] : memref<1x1x5120xf32, #tpu.memory_space<vmem>>, vector<1x1x512xf32>
        %swap3A_236 = vector.shape_cast %swap3A_235 : vector<1x1x512xf32> to vector<1x512xf32>
        %swap3A_237 = vector.shape_cast %mul3A_229 : vector<1x512xf32> to vector<1x1x512xf32>
        tpu.vector_store %arg4[%swap3A_232, %swap3A_233, %swap3A_234], %swap3A_237 {strides = array<i32>} : memref<1x1x5120xf32, #tpu.memory_space<vmem>>, vector<1x1x512xf32>,
      }
      %while3A_136 = arith.constant 1 : i32
      scf.for %while3A_137 = %while3A_134 to %while3A_130 step %while3A_136  : i32 {
        %mul3A_138 = arith.constant 512 : i32
        %mul3A_139 = arith.muli %while3A_137, %mul3A_138 : i32
        %get3A_140 = arith.constant 0 : index
        %get3A_141 = arith.constant 0 : index
        %get3A_142 = arith.index_cast %mul3A_139 : i32 to index
        %get3A_143 = vector.load %arg2[%get3A_140, %get3A_141, %get3A_142] : memref<1x4x5120xf32, #tpu.memory_space<vmem>>, vector<1x1x512xf32>
        %get3A_144 = vector.shape_cast %get3A_143 : vector<1x1x512xf32> to vector<1x512xf32>
        %mul3A_145 = arith.constant 512 : i32
        %mul3A_146 = arith.muli %while3A_137, %mul3A_145 : i32
        %get3A_147 = arith.constant 0 : index
        %get3A_148 = arith.constant 1 : index
        %get3A_149 = arith.index_cast %mul3A_146 : i32 to index
        %get3A_150 = vector.load %arg2[%get3A_147, %get3A_148, %get3A_149] : memref<1x4x5120xf32, #tpu.memory_space<vmem>>, vector<1x1x512xf32>
        %get3A_151 = vector.shape_cast %get3A_150 : vector<1x1x512xf32> to vector<1x512xf32>
        %mul3A_152 = arith.constant 512 : i32
        %mul3A_153 = arith.muli %while3A_137, %mul3A_152 : i32
        %get3A_154 = arith.constant 0 : index
        %get3A_155 = arith.constant 2 : index
        %get3A_156 = arith.index_cast %mul3A_153 : i32 to index
        %get3A_157 = vector.load %arg2[%get3A_154, %get3A_155, %get3A_156] : memref<1x4x5120xf32, #tpu.memory_space<vmem>>, vector<1x1x512xf32>
        %get3A_158 = vector.shape_cast %get3A_157 : vector<1x1x512xf32> to vector<1x512xf32>
        %mul3A_159 = arith.constant 512 : i32
        %mul3A_160 = arith.muli %while3A_137, %mul3A_159 : i32
        %get3A_161 = arith.constant 0 : index
        %get3A_162 = arith.constant 3 : index
        %get3A_163 = arith.index_cast %mul3A_160 : i32 to index
        %get3A_164 = vector.load %arg2[%get3A_161, %get3A_162, %get3A_163] : memref<1x4x5120xf32, #tpu.memory_space<vmem>>, vector<1x1x512xf32>
        %get3A_165 = vector.shape_cast %get3A_164 : vector<1x1x512xf32> to vector<1x512xf32>
        %sub3A_166 = arith.subf %get3A_158, %get3A_144 : vector<1x512xf32>
        %sub3A_167 = arith.subf %get3A_165, %get3A_151 : vector<1x512xf32>
        %mul3A_168 = arith.mulf %sub3A_166, %sub3A_167 : vector<1x512xf32>
        %min3A_169 = vector.broadcast %slice3A_24 : vector<256x1xf32> to vector<256x512xf32>
        %min3A_170 = vector.broadcast %get3A_158 : vector<1x512xf32> to vector<256x512xf32>
        %min3A_171 = arith.minimumf %min3A_169, %min3A_170 : vector<256x512xf32>
        %max3A_172 = vector.broadcast %slice3A : vector<256x1xf32> to vector<256x512xf32>
        %max3A_173 = vector.broadcast %get3A_144 : vector<1x512xf32> to vector<256x512xf32>
        %max3A_174 = arith.maximumf %max3A_172, %max3A_173 : vector<256x512xf32>
        %sub3A_175 = arith.subf %min3A_171, %max3A_174 : vector<256x512xf32>
        %max3A_176 = arith.constant 0.000000e+00 : f32
        %max3A_177 = vector.broadcast %max3A_176 : f32 to vector<256x512xf32>
        %max3A_178 = arith.maximumf %sub3A_175, %max3A_177 : vector<256x512xf32>
        %min3A_179 = vector.broadcast %slice3A_25 : vector<256x1xf32> to vector<256x512xf32>
        %min3A_180 = vector.broadcast %get3A_165 : vector<1x512xf32> to vector<256x512xf32>
        %min3A_181 = arith.minimumf %min3A_179, %min3A_180 : vector<256x512xf32>
        %max3A_182 = vector.broadcast %slice3A_23 : vector<256x1xf32> to vector<256x512xf32>
        %max3A_183 = vector.broadcast %get3A_151 : vector<1x512xf32> to vector<256x512xf32>
        %max3A_184 = arith.maximumf %max3A_182, %max3A_183 : vector<256x512xf32>
        %sub3A_185 = arith.subf %min3A_181, %max3A_184 : vector<256x512xf32>
        %max3A_186 = arith.constant 0.000000e+00 : f32
        %max3A_187 = vector.broadcast %max3A_186 : f32 to vector<256x512xf32>
        %max3A_188 = arith.maximumf %sub3A_185, %max3A_187 : vector<256x512xf32>
        %mul3A_189 = arith.mulf %max3A_178, %max3A_188 : vector<256x512xf32>
        %add3A_190 = vector.broadcast %mul3A_27 : vector<256x1xf32> to vector<256x512xf32>
        %add3A_191 = vector.broadcast %mul3A_168 : vector<1x512xf32> to vector<256x512xf32>
        %add3A_192 = arith.addf %add3A_190, %add3A_191 : vector<256x512xf32>
        %sub3A_193 = arith.subf %add3A_192, %mul3A_189 : vector<256x512xf32>
        %add3A_194 = arith.constant 9.99999996E-13 : f32
        %add3A_195 = vector.broadcast %add3A_194 : f32 to vector<256x512xf32>
        %add3A_196 = arith.addf %sub3A_193, %add3A_195 : vector<256x512xf32>
        %div3A_197 = arith.divf %mul3A_189, %add3A_196 : vector<256x512xf32>
        %gt3A_198 = arith.constant 3.000000e-01 : f32
        %gt3A_199 = vector.broadcast %gt3A_198 : f32 to vector<256x512xf32>
        %gt3A_200 = arith.cmpf ogt, %div3A_197, %gt3A_199 : vector<256x512xf32>
        %convert_element_type3A_201 = arith.extui %gt3A_200 : vector<256x512xi1> to vector<256x512xi32>
        %convert_element_type3A_202 = arith.sitofp %convert_element_type3A_201 : vector<256x512xi32> to vector<256x512xf32>
        %dot_general3A = arith.constant dense<0.000000e+00> : vector<1x512xf32>
        %dot_general3A_203 = tpu.matmul %while3A_96#0, %convert_element_type3A_202, %dot_general3A {dimension_numbers = #tpu.dot_dimension_numbers<[1], [0], [0], [1], [0, 0, 1, 1], [], []>, transpose_lhs_hint = false} : vector<1x256xf32>, vector<256x512xf32>, vector<1x512xf32> -> vector<1x512xf32>
        %gt3A_204 = arith.constant 0.000000e+00 : f32
        %gt3A_205 = vector.broadcast %gt3A_204 : f32 to vector<1x512xf32>
        %gt3A_206 = arith.cmpf ogt, %dot_general3A_203, %gt3A_205 : vector<1x512xf32>
        %mul3A_207 = arith.constant 512 : i32
        %mul3A_208 = arith.muli %while3A_137, %mul3A_207 : i32
        %add3A_209 = vector.broadcast %mul3A_208 : i32 to vector<1x512xi32>
        %add3A_210 = arith.addi %iota3A, %add3A_209 : vector<1x512xi32>
        %add3A_211 = arith.constant 1 : i32
        %add3A_212 = arith.addi %scan3A_16, %add3A_211 : i32
        %mul3A_213 = arith.constant 256 : i32
        %mul3A_214 = arith.muli %add3A_212, %mul3A_213 : i32
        %ge3A = vector.broadcast %mul3A_214 : i32 to vector<1x512xi32>
        %ge3A_215 = arith.cmpi sge, %add3A_210, %ge3A : vector<1x512xi32>
        %and3A_216 = arith.andi %gt3A_206, %ge3A_215 : vector<1x512xi1>
        %mul3A_217 = arith.constant 512 : i32
        %mul3A_218 = arith.muli %while3A_137, %mul3A_217 : i32
        %get3A_219 = arith.constant 0 : index
        %get3A_220 = arith.constant 0 : index
        %get3A_221 = arith.index_cast %mul3A_218 : i32 to index
        %get3A_222 = vector.load %arg4[%get3A_219, %get3A_220, %get3A_221] : memref<1x1x5120xf32, #tpu.memory_space<vmem>>, vector<1x1x512xf32>
        %get3A_223 = vector.shape_cast %get3A_222 : vector<1x1x512xf32> to vector<1x512xf32>
        %convert_element_type3A_224 = arith.extui %and3A_216 : vector<1x512xi1> to vector<1x512xi32>
        %convert_element_type3A_225 = arith.sitofp %convert_element_type3A_224 : vector<1x512xi32> to vector<1x512xf32>
        %sub3A_226 = arith.constant 1.000000e+00 : f32
        %sub3A_227 = vector.broadcast %sub3A_226 : f32 to vector<1x512xf32>
        %sub3A_228 = arith.subf %sub3A_227, %convert_element_type3A_225 : vector<1x512xf32>
        %mul3A_229 = arith.mulf %get3A_223, %sub3A_228 : vector<1x512xf32>
        %mul3A_230 = arith.constant 512 : i32
        %mul3A_231 = arith.muli %while3A_137, %mul3A_230 : i32
        %swap3A_232 = arith.constant 0 : index
        %swap3A_233 = arith.constant 0 : index
        %swap3A_234 = arith.index_cast %mul3A_231 : i32 to index
        %swap3A_235 = vector.load %arg4[%swap3A_232, %swap3A_233, %swap3A_234] : memref<1x1x5120xf32, #tpu.memory_space<vmem>>, vector<1x1x512xf32>
        %swap3A_236 = vector.shape_cast %swap3A_235 : vector<1x1x512xf32> to vector<1x512xf32>
        %swap3A_237 = vector.shape_cast %mul3A_229 : vector<1x512xf32> to vector<1x1x512xf32>
        tpu.vector_store %arg4[%swap3A_232, %swap3A_233, %swap3A_234], %swap3A_237 {strides = array<i32>} : memref<1x1x5120xf32, #tpu.memory_space<vmem>>, vector<1x1x512xf32>,
      }
    }
    %scan3A_15 = arith.constant 20 : i32
    return
  }
  func.func @transform_0(%arg0: i32) -> (i32, i32, i32) {
    %c0_i32 = arith.constant 0 : i32
    %c0_i32_0 = arith.constant 0 : i32
    %c0_i32_1 = arith.constant 0 : i32
    return %arg0, %c0_i32, %c0_i32_0 : i32, i32, i32
  }
  func.func @transform_1(%arg0: i32) -> (i32, i32, i32) {
    %c0_i32 = arith.constant 0 : i32
    %c0_i32_0 = arith.constant 0 : i32
    %c0_i32_1 = arith.constant 0 : i32
    return %arg0, %c0_i32, %c0_i32_0 : i32, i32, i32
  }
  func.func @transform_2(%arg0: i32) -> (i32, i32, i32) {
    %c0_i32 = arith.constant 0 : i32
    %c0_i32_0 = arith.constant 0 : i32
    %c0_i32_1 = arith.constant 0 : i32
    return %arg0, %c0_i32, %c0_i32_0 : i32, i32, i32
  }
  func.func @transform_3(%arg0: i32) -> (i32, i32, i32) {
    %c0_i32 = arith.constant 0 : i32
    %c0_i32_0 = arith.constant 0 : i32
    %c0_i32_1 = arith.constant 0 : i32
    return %arg0, %c0_i32, %c0_i32_0 : i32, i32, i32
  }
}

</mosaic_0001>

<sc_bundles>
// kernel: gather_offload_async_start.1
scs
__scs_entry_jumppad:
0x0: {  	(pc) =	sbr.rel $0x88, $3  }
0x1: {  	(tag) =	ssettag $0x0;
	lr =	simm.s32 $0x1  }
0x2: {  	[smem:$0x3F9E] =	sst lr;
	_ =	strace $0xD0000000  }
0x3: {  	_ = 	snop  }
0x4: {  	_ = 	snop  }
0x5: {  	_ = 	snop  }
0x6: {  	_ = 	snop  }
0x7: {  	_ = 	snop  }
__scs_overlays_trampoline_lowered:
0x8: {  	[smem:$0x3FAD] =	sst s0  }
0x9: {  	[smem:$0x3FAE] =	sst s1  }
0xa: {  	[smem:$0x3FAF] =	sst s2  }
0xb: {  	[smem:$0x3FB0] =	sst s3  }
0xc: {  	[smem:$0x3FB1] =	sst s4  }
0xd: {  	[smem:$0x3FB2] =	sst s5  }
0xe: {  	[smem:$0x3FB3] =	sst s6  }
0xf: {  	[smem:$0x3FB4] =	sst s7  }
0x10: {  	[smem:$0x3FB5] =	sst s8  }
0x11: {  	[smem:$0x3FB6] =	sst s9;
	s0 =	simm.s32 @!p0 $0x0  }
0x12: {  	s1 =	sld [smem:$0x3F9C];
	s0 =	simm.s32 @p0 $0x1  }
0x13: {  	[smem:$0x3FB7] =	sst s0;
	s0 =	simm.s32 @!p1 $0x0  }
0x14: {  	s2 =	sld [smem:$0x3F9B];
	s0 =	simm.s32 @p1 $0x1  }
0x15: {  	[smem:$0x3FB8] =	sst s0;
	s0 =	simm.s32 @!p2 $0x0  }
0x16: {  	s3 =	sld [smem:$0x3FDB];
	s0 =	simm.s32 @p2 $0x1  }
0x17: {  	s4 =	simm.s32 $0x1BF5;
	[smem:$0x3FBA] =	sst s0  }
0x18: {  	s0 =	sld [smem:$0x3F9D];
	_ =	swait.ge [sflag:s4], $0x0  }
0x19: {  	s7 =	sld [smem:$0x3F9E]  }
0x1a: {  	s8 =	sadd.s32 $0xFFFFE003, lr  }
0x1b: {  	s9 =	sadd.s32 $0xFFFFFEF7, lr;
	s5 =	simm.s32 $0xFFFFFFFF;
	p2 =	slt.u32 s8, $0xFFFFF086  }
0x1c: {  	p1 =	slt.u32 s9, $0xF7A;
	s5 =	simm.s32 @!p2 $0x0  }
0x1d: {  	s5 =	simm.s32 @p1 $0x1;
	p0 =	seq.s32 s7, s2  }
0x1e: {  	s7 =	smul.u32 @!p0 $0xF7A, s2;
	p2 =	seq.s32 @!p0 s5, $0x0  }
0x1f: {  	s9 =	smul.u32 $0xF7A, s1;
	s8 =	simm.s32 @!p0 $0x1BF5;
	p2 =	por !p2, p0  }
0x20: {  	[sflag:s8] =	ssyncset.s32 @!p0 $0xFFFFF086;
	s6 =	sadd.s32 @!p0 s3, s7;
	s7 =	simm.s32 @!p0 $0x108  }
0x21: {  	s3 =	sadd.s32 s3, s9;
	s6 =	sadd.s32 @!p0 $0x88, s6;
	s7 =	simm.s32 @p2 $0x1082  }
0x22: {  	[simem:s7], [sflag:s8] =	dma.local @!p0 [hbm:s6], $0xF7A  }
0x23: {  	s9 =	sor.u32 $0xD0000000, s2;
	s6 =	simm.s32 $0x108;
	_ =	swait.ge @!p0 [sflag:s8], $0x0  }
0x24: {  	s3 =	sadd.s32 $0x88, s3;
	s6 =	simm.s32 @!p1 $0x1082;
	[sflag:s4] =	ssyncset.s32 $0xFFFFF086  }
0x25: {  	[simem:s6], [sflag:s4] =	dma.local [hbm:s3], $0xF7A  }
0x26: {  	[smem:$0x3F9E] =	sst s1;
	(tag) =	ssettag s2;
	_ =	strace s9  }
0x27: {  	s1 =	sld [smem:$0x3FAE]  }
0x28: {  	s2 =	sld [smem:$0x3FAF]  }
0x29: {  	s4 =	sld [smem:$0x3FB1]  }
0x2a: {  	p0 =	seq.s32 s5, $0x0;
	s5 =	sld [smem:$0x3FB2]  }
0x2b: {  	s6 =	sld [smem:$0x3FB3]  }
0x2c: {  	s7 =	sld [smem:$0x3FB4]  }
0x2d: {  	s3 =	simm.s32 $0x108;
	s8 =	sld [smem:$0x3FB5]  }
0x2e: {  	s3 =	simm.s32 @!p0 $0x1082;
	s9 =	sld [smem:$0x3FB6]  }
0x2f: {  	lr =	sadd.s32 s0, s3;
	s0 =	sld [smem:$0x3FAD]  }
0x30: {  	s3 =	sld [smem:$0x3FB0]  }
0x31: {  	[smem:$0x3FB9] =	sst s10  }
0x32: {  	s10 =	sld [smem:$0x3FB7];
	_ =	sdelay $0x3  }
0x33: {  	p0 =	seq.s32 s10, $0x1;
	s10 =	sld [smem:$0x3FB9];
	_ =	sdelay $0x3  }
0x34: {  	[smem:$0x3FB9] =	sst s10  }
0x35: {  	s10 =	sld [smem:$0x3FB8];
	_ =	sdelay $0x3  }
0x36: {  	p1 =	seq.s32 s10, $0x1;
	s10 =	sld [smem:$0x3FB9];
	_ =	sdelay $0x3  }
0x37: {  	[smem:$0x3FB9] =	sst s10  }
0x38: {  	s10 =	sld [smem:$0x3FBA]  }
0x39: {  	_ = 	snop;
	(pc) =	sbr.ind lr, $3  }
0x3a: {  	_ = 	snop  }
0x3b: {  	_ = 	snop  }
0x3c: {  	p2 =	seq.s32 s10, $0x1;
	s10 =	sld [smem:$0x3FB9]  }
0x3d: {  	_ =	shalt  }
0x3e: {  	_ =	shalt  }
0x3f: {  	_ =	shalt  }
0x40: {  	_ =	shalt  }
0x41: {  	_ =	shalt  }
0x42: {  	_ =	shalt  }
0x43: {  	_ =	shalt  }
0x44: {  	_ =	shalt  }
0x45: {  	_ =	shalt  }
0x46: {  	_ =	shalt  }
0x47: {  	_ =	shalt  }
0x48: {  	_ =	shalt  }
0x49: {  	_ =	shalt  }
0x4a: {  	_ =	shalt  }
0x4b: {  	_ =	shalt  }
0x4c: {  	_ =	shalt  }
0x4d: {  	_ =	shalt  }
0x4e: {  	_ =	shalt  }
0x4f: {  	_ =	shalt  }
0x50: {  	_ =	shalt  }
0x51: {  	_ =	shalt  }
0x52: {  	_ =	shalt  }
0x53: {  	_ =	shalt  }
0x54: {  	_ =	shalt  }
0x55: {  	_ =	shalt  }
0x56: {  	_ =	shalt  }
0x57: {  	_ =	shalt  }
0x58: {  	_ =	shalt  }
0x59: {  	_ =	shalt  }
0x5a: {  	_ =	shalt  }
0x5b: {  	_ =	shalt  }
0x5c: {  	_ =	shalt  }
0x5d: {  	_ =	shalt  }
0x5e: {  	_ =	shalt  }
0x5f: {  	_ =	shalt  }
0x60: {  	_ =	shalt  }
0x61: {  	_ =	shalt  }
0x62: {  	_ =	shalt  }
0x63: {  	_ =	shalt  }
0x64: {  	_ =	shalt  }
0x65: {  	_ =	shalt  }
0x66: {  	_ =	shalt  }
0x67: {  	_ =	shalt  }
0x68: {  	_ =	shalt  }
0x69: {  	_ =	shalt  }
0x6a: {  	_ =	shalt  }
0x6b: {  	_ =	shalt  }
0x6c: {  	_ =	shalt  }
0x6d: {  	_ =	shalt  }
0x6e: {  	_ =	shalt  }
0x6f: {  	_ =	shalt  }
0x70: {  	_ =	shalt  }
0x71: {  	_ =	shalt  }
0x72: {  	_ =	shalt  }
0x73: {  	_ =	shalt  }
0x74: {  	_ =	shalt  }
0x75: {  	_ =	shalt  }
0x76: {  	_ =	shalt  }
0x77: {  	_ =	shalt  }
0x78: {  	_ =	shalt  }
0x79: {  	_ =	shalt  }
0x7a: {  	_ =	shalt  }
0x7b: {  	_ =	shalt  }
0x7c: {  	_ =	shalt  }
0x7d: {  	_ =	shalt  }
0x7e: {  	_ =	shalt  }
0x7f: {  	_ =	shalt  }
0x80: {  	_ =	shalt  }
0x81: {  	_ =	shalt  }
0x82: {  	_ =	shalt  }
0x83: {  	_ =	shalt  }
0x84: {  	_ =	shalt  }
0x85: {  	_ =	shalt  }
0x86: {  	_ =	shalt  }
0x87: {  	_ =	shalt  }
.Lfunc_end0:
.L_simem_size_0:
called_computation.1_lowered:
.L_overlay_start_0:
0x88: {  	s0 =	sld [smem:$0x3FD9]  }
0x89: {  	s1 =	sld [smem:$0x3FFE];
	_ =	sdelay $0x3  }
0x8a: {  	s0 =	sadd.s32 s1, s0  }
0x8b: {  	[smem:$0x3FC5] =	sst s0  }
0x8c: {  	_ = 	snop  }
0x8d: {  	(tm) =	ssettm $0x1  }
0x8e: {  	s15 =	sld [smem:$0x3FFB];
	_ =	sdelay $0x3  }
0x8f: {  	_ =	strace s15  }
0x90: {  	s0 =	sld [smem:$0x3FFC];
	_ =	sdelay $0x3  }
0x91: {  	_ =	strace s0  }
0x92: {  	s0 =	sld [smem:$0x3FFD];
	_ =	sdelay $0x3  }
0x93: {  	_ =	strace s0  }
0x94: {  	_ =	strace $0x8FFFFFFF  }
0x95: {  	s16 =	sld [smem:$0x3FDB];
	_ =	sdelay $0x1  }
0x96: {  	s17 =	simm.s32 $_scs_section_size  }
0x97: {  	s2 =	simm.s32 $_size__tile_overlayer_lowered;
	s3 =	simm.s32 $_tile_overlayer_lowered  }
0x98: {  	s20 =	simm.s32 $0x1BFF;
	s19 =	sshll.u32 s3, $0x1;
	s0 =	sadd.s32 s17, s16  }
0x99: {  	s4 =	simm.s32 $0x0;
	s18 =	sshll.u32 s2, $0x1;
	s2 =	sadd.s32 s19, s0  }
0x9a: {  	[timem:s4], [sflag:s20] =	dma.local [hbm:s2], s18  }
0x9b: {  	_ =	swait.ge [sflag:s20], s18  }
0x9c: {  	s1 =	ssub.s32 $0x0, s18;
	[sflag:s20] =	ssyncset.done $0x0  }
0x9d: {  	[sflag:s20] =	ssyncadd.s32 s1;
	_ =	sdelay $0x1  }
0x9e: {  	s21 =	simm.s32 $0x1B8B  }
0x9f: {  	_ =	swait.ge [sflag:s21], $0x1  }
0xa0: {  	[sflag:s21] =	ssyncset.done $0x0  }
0xa1: {  	s23 =	simm.s32 $0x1B8E;
	s22 =	sld [smem:$0x3FFE];
	[sflag:s21] =	ssyncadd.s32 $0xFFFFFFFF  }
0xa2: {  	s24 =	simm.s32 $execute0_lowered;
	[smem:$0x3FD2] =	sst s23  }
0xa3: {  	s2 =	sshll.u32 s24, $0x1;
	_ =	strace $0x8000004C;
	[dreg:$0x1] =	wrdreg $0xFFFFFFFF  }
0xa4: {  	s25 =	simm.s32 $_size_execute0_lowered;
	s0 =	sadd.s32 s0, s2;
	[dreg:$0x0] =	wrdreg $0x0  }
0xa5: {  	s2 =	sshll.u32 s25, $0x1;
	[dreg:$0x2] =	wrdreg s0  }
0xa6: {  	[dreg:$0x3] =	wrdreg s2  }
0xa7: {  	[dreg:$0x4] =	wrdreg $0xC0  }
0xa8: {  	_ =	task [dreg:s4], $0x5FFFF  }
0xa9: {  	[dreg:$0x1] =	wrdreg $0xFFFFFFFF  }
0xaa: {  	[dreg:$0x0] =	wrdreg $0x60  }
0xab: {  	[dreg:$0x2] =	wrdreg s22  }
0xac: {  	[dreg:$0x3] =	wrdreg $0x9  }
0xad: {  	_ =	task.clear_ibuf [dreg:s4], $0x4FFFF;
	_ =	strace $0x9000004C  }
0xae: {  	s26 =	simm.s32 $0x9;
	_ =	strace $0x8000004E  }
0xaf: {  	_ =	swait.ge [sflag:s26], $0x1  }
0xb0: {  	[sflag:s26] =	ssyncadd.s32 $0xFFFFFFFF  }
0xb1: {  	_ =	strace $0x9000004E  }
0xb2: {  	_ =	sfence  }
0xb3: {  	s28 =	sld [smem:$0x0];
	_ =	sdelay $0x1  }
0xb4: {  	s29 =	srdreg.scid  }
0xb5: {  	s30 =	sshll.u32 s29, $0xD;
	s31 =	sshrl.u32 s29, $0x2  }
0xb6: {  	s1 =	sand.u32 $0x1, s29;
	s2 =	sand.u32 $0x4000, s30;
	s0 =	sadd.s32 s31, s28  }
0xb7: {  	s1 =	sor.u32 s2, s1;
	s0 =	sshll.u32 s0, $0x11  }
0xb8: {  	s0 =	sor.u32 s0, s1  }
0xb9: {  	s0 =	sadd.s32 $0x8F2B, s0  }
0xba: {  	[sflag:s0] =	ssyncadd.remote.s32 $0x1  }
0xbb: {  	_ =	sfence.sel $0xFFFF  }
0xbc: {  	[dreg:$0x0] =	wrdreg $0xFFFFFFFF;
	(pc) =	sbr.abs _section_cstart, $3  }
0xbd: {  	[dreg:$0x1] =	wrdreg $0xFFFFFFFF  }
0xbe: {  	_ =	task.clear_ibuf [dreg:s4], $0x2FFFF;
	_ =	strace $0x9FFFFFFF  }
0xbf: {  	(tm) =	ssettm $0x7FFFFFFF  }
tec
execute0_lowered:
.L_overlay_start_1:
0x0: {  	(tag) =	ssettag $0x1  }
0x1: {  	s0 =	stileid.u32  }
0x2: {  	s1 =	smin.u32 s0, $0x9  }
0x3: {  	s1 =	sadd.s32 s0, s1  }
0x4: {  	p0 =	slt.u32 s0, $0x9;
	s2 =	smul.u32 $0x78, s1;
	s1 =	simm.s32 $0xF0  }
0x5: {  	s1 =	simm.s32 @!p0 $0x78  }
0x6: {  	s1 =	sadd.s32 s1, s2  }
0x7: {  	s3 =	smin.u32 s1, $0xBB8  }
0x8: {  	s7 =	ssub.s32 s3, s2  }
0x9: {  	p0 =	sgt.s32 s7, $0x0  }
0xa: {  	s7 =	simm.s32 @!p0 $0x0  }
0xb: {  	s31 =	smul.u32 $0x8889, s7  }
0xc: {  	s4 =	rddreg [dreg:$0x0];
	s6 =	simm.s32 $0x1  }
0xd: {  	s10 =	simm.s32 $0x3;
	s13 =	simm.s32 $0x0;
	s8 =	sshrl.u32 s31, $0x16  }
0xe: {  	s12 =	simm.s32 $0x0;
	s5 =	sadd.s32 $0x4E200, s4;
	s9 =	smul.u32 $0x78, s8  }
.Ltmp0:
0xf: {  	s11 =	smov.u32 s2;
	s1 =	rddreg [dreg:$0x1];
	(pc) =	sbr.rel .LBB2_1-.Ltmp0, $4  }
0x10: {  	_ =	strace $0x8000004D;
	p0 =	sne.s32 s7, s9;
	s9 =	simm.s32 $0x1  }
0x11: {  	[sflag:s6] =	ssyncpa.u1 $0x0;
	s7 =	simm.s32 $0x2;
	s9 =	simm.s32 @!p0 $0x0  }
0x12: {  	[sflag:s7] =	ssyncpa.u1 $0x0;
	p0 =	por $0x0, $0x0;
	s8 =	sadd.s32 s8, s9  }
0x13: {  	vm0 =	vmmov $0xff;
	vm1 =	vcmask $0x3F20;
	s9 =	sadd.s32 $0x4E400, s4;
	[sflag:s10] =	ssyncpa.u1 $0x0;
	s10 =	sadd.s32 $0x1, s8  }
.LBB2_6:
0x14: {  	[hbm:s17] =	stream.linear.scatter [tilespmem:s14], [sflag:$0x3], $0x400, $0x38;
	[tilespmem:$0x78F0] =	vst v63  }
.LBB2_7:
0x15: {  	s13 =	sadd.s32 $0x78, s11  }
0x16: {  	s15 =	smov.u32 s2;
	p2 =	slt.s32 s13, s3  }
0x17: {  	s15 =	smov.u32 @p2 s13;
	p2 =	sne.s32 s12, s10  }
.Ltmp1:
0x18: {  	p1 =	slt.u32 s12, $0x2;
	(pc) =	sbr.rel @!p2 .LBB2_8-.Ltmp1, $4  }
0x19: {  	s14 =	simm.s32 @!p1 $0x3  }
0x1a: {  	s16 =	sadd.s32 $0x1, s12;
	_ =	swait.ge @!p1 [sflag:s14], $0x3C00  }
0x1b: {  	p0 =	por !p0, !p0;
	s13 =	smov.u32 s11;
	[sflag:s14] =	ssyncset.done @!p1 $0x0  }
0x1c: {  	s12 =	smov.u32 s16;
	s11 =	smov.u32 s15;
	[sflag:s14] =	ssyncadd.s32 @!p1 $0xFFFFC400  }
.LBB2_1:
0x1d: {  	p1 =	sge.u32 s12, s8  }
0x1e: {  	s14 =	sxor.u32 @!p1 $0xFFFFFFFF, s12  }
0x1f: {  	s14 =	sand.u32 @!p1 $0x1, s14  }
0x20: {  	s14 =	smul.u32 @!p1 $0x1E0, s14  }
0x21: {  	s31 =	sadd.s32 $0xFFFFFFFF, s12;
	s15 =	sshrl.u32 @!p1 s11, $0x3  }
0x22: {  	s16 =	sand.u32 @!p1 $0x7, s11;
	s15 =	sadd.s32 @!p1 s5, s15;
	s14 =	sshrl.u32 @!p1 s14, $0x2  }
0x23: {  	[tilespmem:s14], [sflag:$0x2] =	stream.linear.gather @!p1 [hbm4b:s15+s16], $0x78, $0x38;
	[tilespmem:$0x78F0] =	vst v63  }
0x24: {  	p1 =	sge.u32 s31, s8  }
.Ltmp2:
0x25: {  	_ = 	snop;
	(pc) =	sbr.rel @p1 .LBB2_7-.Ltmp2, $1  }
0x26: {  	_ =	sdelay $0x3  }
0x27: {  	s14 =	simm.s32 $0x1  }
0x28: {  	s14 =	simm.s32 @!p0 $0x0  }
0x29: {  	s15 =	smul.u32 $0x1E0, s14  }
0x2a: {  	_ =	swait.ge [sflag:s7], $0x78  }
0x2b: {  	[sflag:s7] =	ssyncset.done $0x0;
	s17 =	sshrl.u32 s15, $0x2  }
0x2c: {  	[sflag:s7] =	ssyncadd.s32 $0xFFFFFF88;
	s15 =	sadd.s32 $0x0, s17  }
0x2d: {  	v0 =	vld.msk [tilespmem:s15+$0x0 ss:$0x1], $0xffff;
	_ =	sdelay $0x4  }
0x2e: {  	v1 =	vand.u32 $0x3, v0;
	v2 =	vshll.u32 v0, $0x5  }
0x2f: {  	vm2 =	veq.s32 v0, $0x80000000;
	v0 =	vmul.u32 $0x9C400, v1;
	v1 =	vand.u32 $0xFFF80, v2  }
0x30: {  	v1 =	vsel vm2, $0xFFFFFF80, v1  }
0x31: {  	v0 =	vsel vm2, $0xFFF63C00, v0;
	v2 =	vand.u32 $0xFFFFFC00, v1  }
0x32: {  	v1 =	vand.u32 $0x380, v1;
	v0 =	vadd.s32 v0, v2  }
0x33: {  	v0 =	vor.u32 v1, v0  }
0x34: {  	v0 =	vshrl.u32 v0, $0x3  }
0x35: {  	s14 =	smul.u32 $0xF000, s14  }
0x36: {  	s31 =	sand.u32 $0x1, s12  }
0x37: {  	s16 =	smul.u32 $0x1E0, s31;
	s14 =	sshrl.u32 s14, $0x2  }
0x38: {  	s19 =	smul.u32 $0xF000, s31;
	s14 =	sor.u32 $0xF0, s14  }
0x39: {  	[tilespmem:s14], [sflag:$0x1] =	stream.indirect_vreg.gather [hbm:s4], $0x80, v0, vm0, $0x38;
	[tilespmem:$0x78F0] =	vst v63  }
0x3a: {  	s18 =	sshrl.u32 s16, $0x2;
	s20 =	sadd.s32 $0x10, s17;
	s15 =	sadd.s32 $0x400, s14  }
0x3b: {  	[tilespmem:s15], [sflag:$0x1] =	stream.indirect_vreg.gather [hbm:s4], $0x80, v0, vm1, $0x38;
	[tilespmem:$0x78F0] =	vst v63  }
0x3c: {  	s16 =	sshrl.u32 s19, $0x2;
	s19 =	smov.u32 s14;
	v0 =	vld.msk [tilespmem:s20+$0x0 ss:$0x1], $0xffff;
	s20 =	simm.s32 $0x80  }
.LBB2_3:
0x3d: {  	p1 =	sne.s32 s20, $0x180;
	_ =	sdelay $0x4  }
0x3e: {  	v1 =	vand.u32 $0x3, v0;
	v2 =	vshll.u32 v0, $0x5  }
0x3f: {  	vm2 =	veq.s32 v0, $0x80000000;
	v0 =	vmul.u32 $0x9C400, v1;
	v1 =	vand.u32 $0xFFF80, v2  }
0x40: {  	v1 =	vsel vm2, $0xFFFFFF80, v1  }
0x41: {  	v0 =	vsel vm2, $0xFFF63C00, v0;
	v2 =	vand.u32 $0xFFFFFC00, v1  }
0x42: {  	v1 =	vand.u32 $0x380, v1;
	v0 =	vadd.s32 v0, v2  }
0x43: {  	v0 =	vor.u32 v1, v0  }
0x44: {  	v0 =	vshrl.u32 v0, $0x3;
	_ =	sdelay $0x3  }
.Ltmp3:
0x45: {  	s21 =	sshra.s32 s20, $0x2;
	s19 =	sadd.s32 $0x800, s19;
	(pc) =	sbr.rel @p1 .LBB2_3-.Ltmp3, $4  }
0x46: {  	[tilespmem:s19], [sflag:$0x1] =	stream.indirect_vreg.gather [hbm:s4], $0x80, v0, vm0, $0x38;
	[tilespmem:$0x78F0] =	vst v63  }
0x47: {  	s21 =	sadd.s32 s21, s17;
	s22 =	sadd.s32 $0x400, s19  }
0x48: {  	[tilespmem:s22], [sflag:$0x1] =	stream.indirect_vreg.gather [hbm:s4], $0x80, v0, vm1, $0x38;
	[tilespmem:$0x78F0] =	vst v63  }
0x49: {  	s20 =	sadd.s32 $0x40, s20;
	v0 =	vld.msk [tilespmem:s21+$0x0 ss:$0x1], $0xffff  }
0x4a: {  	_ =	sdelay $0x3  }
0x4b: {  	v1 =	vand.u32 $0x3, v0;
	v2 =	vshll.u32 v0, $0x5  }
0x4c: {  	vm2 =	veq.s32 v0, $0x80000000;
	v56 =	vmul.u32 $0x9C400, v1;
	v57 =	vand.u32 $0xFFF80, v2  }
0x4d: {  	v1 =	vsel vm2, $0xFFFFFF80, v57  }
0x4e: {  	v0 =	vsel vm2, $0xFFF63C00, v56;
	v58 =	vand.u32 $0xFFFFFC00, v1  }
0x4f: {  	v1 =	vand.u32 $0x380, v1;
	v0 =	vadd.s32 v0, v58  }
0x50: {  	v0 =	vor.u32 v1, v0  }
0x51: {  	v0 =	vshrl.u32 v0, $0x3;
	_ =	sdelay $0x3  }
0x52: {  	s17 =	sadd.s32 $0x800, s19  }
0x53: {  	[tilespmem:s17], [sflag:$0x1] =	stream.indirect_vreg.gather [hbm:s4], $0x80, v0, vm0, $0x38;
	[tilespmem:$0x78F0] =	vst v63  }
0x54: {  	s17 =	sadd.s32 $0x400, s17  }
0x55: {  	[tilespmem:s17], [sflag:$0x1] =	stream.indirect_vreg.gather [hbm:s4], $0x80, v0, vm1, $0x38;
	[tilespmem:$0x78F0] =	vst v63  }
0x56: {  	v0 =	vld.msk [tilespmem:s18+$0x70 ss:$0x1], $0xff;
	_ =	sdelay $0x4  }
0x57: {  	v59 =	vand.u32 $0x3, v0;
	v60 =	vshll.u32 v0, $0x5  }
0x58: {  	vm2 =	veq.s32 v0, $0x80000000;
	v61 =	vmul.u32 $0x9C400, v59;
	v62 =	vand.u32 $0xFFF80, v60  }
0x59: {  	v1 =	vsel vm2, $0xFFFFFF80, v62  }
0x5a: {  	v0 =	vsel vm2, $0xFFF63C00, v61;
	v63 =	vand.u32 $0xFFFFFC00, v1  }
0x5b: {  	v1 =	vand.u32 $0x380, v1;
	v0 =	vadd.s32 v0, v63  }
0x5c: {  	v0 =	vor.u32 v1, v0  }
0x5d: {  	v0 =	vshrl.u32 v0, $0x3;
	_ =	sdelay $0x3  }
0x5e: {  	s16 =	sadd.s32 $0x38F0, s16  }
0x5f: {  	[tilespmem:s16], [sflag:$0x1] =	stream.indirect_vreg.gather [hbm:s4], $0x80, v0, vm0, $0x38;
	[tilespmem:$0x78F0] =	vst v63  }
0x60: {  	s13 =	sshll.u32 s13, $0x4;
	_ =	swait.ge [sflag:s6], $0x3C00  }
0x61: {  	s13 =	sadd.s32 s13, s9;
	[sflag:s6] =	ssyncset.done $0x0  }
0x62: {  	s17 =	sadd.s32 $0x0, s13;
	s16 =	simm.s32 $0x80;
	[sflag:s6] =	ssyncadd.s32 $0xFFFFC400  }
.LBB2_5:
0x63: {  	[hbm:s17] =	stream.linear.scatter [tilespmem:s14], [sflag:$0x3], $0x400, $0x38;
	[tilespmem:$0x78F0] =	vst v63  }
0x64: {  	s17 =	smov.u32 s16;
	s14 =	smov.u32 s15;
	p1 =	sne.s32 s16, $0x700  }
.Ltmp4:
0x65: {  	s16 =	sadd.s32 $0x80, s16;
	(pc) =	sbr.rel @p1 .LBB2_5-.Ltmp4, $2  }
0x66: {  	_ =	sdelay $0x2  }
0x67: {  	s15 =	sadd.s32 $0x400, s15;
	s17 =	sadd.s32 s17, s13  }
.Ltmp5:
0x68: {  	_ = 	snop;
	(pc) =	sbr.rel .LBB2_6-.Ltmp5, $1  }
0x69: {  	_ =	sdelay $0x3  }
.LBB2_8:
0x6a: {  	_ =	sfence.sel $0x180000  }
0x6b: {  	s2 =	simm.s32 $0x2;
	[bflag:$0x0] =	sbarrier.arrive $0xFFFF  }
0x6c: {  	s30 =	simm.s32 $0x3;
	[sflag:s2] =	ssyncpa.u1 $0x1  }
0x6d: {  	s31 =	simm.s32 $0x1;
	[sflag:s30] =	ssyncpa.u1 $0x1  }
0x6e: {  	[sflag:s31] =	ssyncpa.u1 $0x1  }
0x6f: {  	p0 =	sne.s32 s0, $0x0;
	_ =	strace $0x9000004D  }
0x70: {  	s0 =	sadd.s32 @!p0 $0x100000, s1;
	[bflag:$0x2] =	sbarrier.arrive $0xFFFF  }
0x71: {  	[sflag:s0] =	ssyncadd.tile.s32 @!p0 $0x1;
	_ =	shalt  }
.Lfunc_end2:
_tile_overlayer_lowered:
.L_overlay_start_2:
0x72: {  	(tag) =	ssettag $0x2  }
0x73: {  	s0 =	rddreg [dreg:$0x0];
	s2 =	stileid.u32  }
0x74: {  	s1 =	rddreg [dreg:$0x1];
	p0 =	sne.s32 s2, $0x0  }
0x75: {  	s3 =	rddreg [dreg:$0x2];
	[bflag:$0x3] =	sbarrier.arrive $0xFFFF;
	s2 =	simm.s32 @!p0 $0x1C01  }
0x76: {  	[timem:s3], [sflag:s2] =	dma.local @!p0 [hbm:s0], s1  }
0x77: {  	s0 =	simm.s32 @!p0 $0x1  }
0x78: {  	_ =	swait.ge @!p0 [sflag:s0], s1  }
0x79: {  	s1 =	ssub.s32 @!p0 $0x0, s1;
	[sflag:s0] =	ssyncset.done @!p0 $0x0  }
0x7a: {  	[sflag:s0] =	ssyncadd.s32 @!p0 s1  }
0x7b: {  	[bflag:$0x3] =	sbarrier.arrive $0xFFFF  }
0x7c: {  	_ =	shalt  }

// kernel: gather_offload_async_start.2
scs
__scs_entry_jumppad:
0x0: {  	(pc) =	sbr.rel $0x88, $3  }
0x1: {  	(tag) =	ssettag $0x0;
	lr =	simm.s32 $0x1  }
0x2: {  	[smem:$0x3F9E] =	sst lr;
	_ =	strace $0xD0000000  }
0x3: {  	_ = 	snop  }
0x4: {  	_ = 	snop  }
0x5: {  	_ = 	snop  }
0x6: {  	_ = 	snop  }
0x7: {  	_ = 	snop  }
__scs_overlays_trampoline_lowered:
0x8: {  	[smem:$0x3FAD] =	sst s0  }
0x9: {  	[smem:$0x3FAE] =	sst s1  }
0xa: {  	[smem:$0x3FAF] =	sst s2  }
0xb: {  	[smem:$0x3FB0] =	sst s3  }
0xc: {  	[smem:$0x3FB1] =	sst s4  }
0xd: {  	[smem:$0x3FB2] =	sst s5  }
0xe: {  	[smem:$0x3FB3] =	sst s6  }
0xf: {  	[smem:$0x3FB4] =	sst s7  }
0x10: {  	[smem:$0x3FB5] =	sst s8  }
0x11: {  	[smem:$0x3FB6] =	sst s9;
	s0 =	simm.s32 @!p0 $0x0  }
0x12: {  	s1 =	sld [smem:$0x3F9C];
	s0 =	simm.s32 @p0 $0x1  }
0x13: {  	[smem:$0x3FB7] =	sst s0;
	s0 =	simm.s32 @!p1 $0x0  }
0x14: {  	s2 =	sld [smem:$0x3F9B];
	s0 =	simm.s32 @p1 $0x1  }
0x15: {  	[smem:$0x3FB8] =	sst s0;
	s0 =	simm.s32 @!p2 $0x0  }
0x16: {  	s3 =	sld [smem:$0x3FDB];
	s0 =	simm.s32 @p2 $0x1  }
0x17: {  	s4 =	simm.s32 $0x1BF5;
	[smem:$0x3FBA] =	sst s0  }
0x18: {  	s0 =	sld [smem:$0x3F9D];
	_ =	swait.ge [sflag:s4], $0x0  }
0x19: {  	s7 =	sld [smem:$0x3F9E]  }
0x1a: {  	s8 =	sadd.s32 $0xFFFFE003, lr  }
0x1b: {  	s9 =	sadd.s32 $0xFFFFFEF7, lr;
	s5 =	simm.s32 $0xFFFFFFFF;
	p2 =	slt.u32 s8, $0xFFFFF086  }
0x1c: {  	p1 =	slt.u32 s9, $0xF7A;
	s5 =	simm.s32 @!p2 $0x0  }
0x1d: {  	s5 =	simm.s32 @p1 $0x1;
	p0 =	seq.s32 s7, s2  }
0x1e: {  	s7 =	smul.u32 @!p0 $0xF7A, s2;
	p2 =	seq.s32 @!p0 s5, $0x0  }
0x1f: {  	s9 =	smul.u32 $0xF7A, s1;
	s8 =	simm.s32 @!p0 $0x1BF5;
	p2 =	por !p2, p0  }
0x20: {  	[sflag:s8] =	ssyncset.s32 @!p0 $0xFFFFF086;
	s6 =	sadd.s32 @!p0 s3, s7;
	s7 =	simm.s32 @!p0 $0x108  }
0x21: {  	s3 =	sadd.s32 s3, s9;
	s6 =	sadd.s32 @!p0 $0x88, s6;
	s7 =	simm.s32 @p2 $0x1082  }
0x22: {  	[simem:s7], [sflag:s8] =	dma.local @!p0 [hbm:s6], $0xF7A  }
0x23: {  	s9 =	sor.u32 $0xD0000000, s2;
	s6 =	simm.s32 $0x108;
	_ =	swait.ge @!p0 [sflag:s8], $0x0  }
0x24: {  	s3 =	sadd.s32 $0x88, s3;
	s6 =	simm.s32 @!p1 $0x1082;
	[sflag:s4] =	ssyncset.s32 $0xFFFFF086  }
0x25: {  	[simem:s6], [sflag:s4] =	dma.local [hbm:s3], $0xF7A  }
0x26: {  	[smem:$0x3F9E] =	sst s1;
	(tag) =	ssettag s2;
	_ =	strace s9  }
0x27: {  	s1 =	sld [smem:$0x3FAE]  }
0x28: {  	s2 =	sld [smem:$0x3FAF]  }
0x29: {  	s4 =	sld [smem:$0x3FB1]  }
0x2a: {  	p0 =	seq.s32 s5, $0x0;
	s5 =	sld [smem:$0x3FB2]  }
0x2b: {  	s6 =	sld [smem:$0x3FB3]  }
0x2c: {  	s7 =	sld [smem:$0x3FB4]  }
0x2d: {  	s3 =	simm.s32 $0x108;
	s8 =	sld [smem:$0x3FB5]  }
0x2e: {  	s3 =	simm.s32 @!p0 $0x1082;
	s9 =	sld [smem:$0x3FB6]  }
0x2f: {  	lr =	sadd.s32 s0, s3;
	s0 =	sld [smem:$0x3FAD]  }
0x30: {  	s3 =	sld [smem:$0x3FB0]  }
0x31: {  	[smem:$0x3FB9] =	sst s10  }
0x32: {  	s10 =	sld [smem:$0x3FB7];
	_ =	sdelay $0x3  }
0x33: {  	p0 =	seq.s32 s10, $0x1;
	s10 =	sld [smem:$0x3FB9];
	_ =	sdelay $0x3  }
0x34: {  	[smem:$0x3FB9] =	sst s10  }
0x35: {  	s10 =	sld [smem:$0x3FB8];
	_ =	sdelay $0x3  }
0x36: {  	p1 =	seq.s32 s10, $0x1;
	s10 =	sld [smem:$0x3FB9];
	_ =	sdelay $0x3  }
0x37: {  	[smem:$0x3FB9] =	sst s10  }
0x38: {  	s10 =	sld [smem:$0x3FBA]  }
0x39: {  	_ = 	snop;
	(pc) =	sbr.ind lr, $3  }
0x3a: {  	_ = 	snop  }
0x3b: {  	_ = 	snop  }
0x3c: {  	p2 =	seq.s32 s10, $0x1;
	s10 =	sld [smem:$0x3FB9]  }
0x3d: {  	_ =	shalt  }
0x3e: {  	_ =	shalt  }
0x3f: {  	_ =	shalt  }
0x40: {  	_ =	shalt  }
0x41: {  	_ =	shalt  }
0x42: {  	_ =	shalt  }
0x43: {  	_ =	shalt  }
0x44: {  	_ =	shalt  }
0x45: {  	_ =	shalt  }
0x46: {  	_ =	shalt  }
0x47: {  	_ =	shalt  }
0x48: {  	_ =	shalt  }
0x49: {  	_ =	shalt  }
0x4a: {  	_ =	shalt  }
0x4b: {  	_ =	shalt  }
0x4c: {  	_ =	shalt  }
0x4d: {  	_ =	shalt  }
0x4e: {  	_ =	shalt  }
0x4f: {  	_ =	shalt  }
0x50: {  	_ =	shalt  }
0x51: {  	_ =	shalt  }
0x52: {  	_ =	shalt  }
0x53: {  	_ =	shalt  }
0x54: {  	_ =	shalt  }
0x55: {  	_ =	shalt  }
0x56: {  	_ =	shalt  }
0x57: {  	_ =	shalt  }
0x58: {  	_ =	shalt  }
0x59: {  	_ =	shalt  }
0x5a: {  	_ =	shalt  }
0x5b: {  	_ =	shalt  }
0x5c: {  	_ =	shalt  }
0x5d: {  	_ =	shalt  }
0x5e: {  	_ =	shalt  }
0x5f: {  	_ =	shalt  }
0x60: {  	_ =	shalt  }
0x61: {  	_ =	shalt  }
0x62: {  	_ =	shalt  }
0x63: {  	_ =	shalt  }
0x64: {  	_ =	shalt  }
0x65: {  	_ =	shalt  }
0x66: {  	_ =	shalt  }
0x67: {  	_ =	shalt  }
0x68: {  	_ =	shalt  }
0x69: {  	_ =	shalt  }
0x6a: {  	_ =	shalt  }
0x6b: {  	_ =	shalt  }
0x6c: {  	_ =	shalt  }
0x6d: {  	_ =	shalt  }
0x6e: {  	_ =	shalt  }
0x6f: {  	_ =	shalt  }
0x70: {  	_ =	shalt  }
0x71: {  	_ =	shalt  }
0x72: {  	_ =	shalt  }
0x73: {  	_ =	shalt  }
0x74: {  	_ =	shalt  }
0x75: {  	_ =	shalt  }
0x76: {  	_ =	shalt  }
0x77: {  	_ =	shalt  }
0x78: {  	_ =	shalt  }
0x79: {  	_ =	shalt  }
0x7a: {  	_ =	shalt  }
0x7b: {  	_ =	shalt  }
0x7c: {  	_ =	shalt  }
0x7d: {  	_ =	shalt  }
0x7e: {  	_ =	shalt  }
0x7f: {  	_ =	shalt  }
0x80: {  	_ =	shalt  }
0x81: {  	_ =	shalt  }
0x82: {  	_ =	shalt  }
0x83: {  	_ =	shalt  }
0x84: {  	_ =	shalt  }
0x85: {  	_ =	shalt  }
0x86: {  	_ =	shalt  }
0x87: {  	_ =	shalt  }
.Lfunc_end0:
.L_simem_size_0:
called_computation.2_lowered:
.L_overlay_start_0:
0x88: {  	s0 =	sld [smem:$0x3FD9]  }
0x89: {  	s1 =	sld [smem:$0x3FFE];
	_ =	sdelay $0x3  }
0x8a: {  	s0 =	sadd.s32 s1, s0  }
0x8b: {  	[smem:$0x3FC5] =	sst s0  }
0x8c: {  	_ = 	snop  }
0x8d: {  	s0 =	sld [smem:$0x3FD0];
	(tm) =	ssettm $0x1  }
0x8e: {  	s16 =	sld [smem:$0x3FFB];
	_ =	sdelay $0x3  }
0x8f: {  	_ =	strace s16  }
0x90: {  	s1 =	sld [smem:$0x3FFC];
	_ =	sdelay $0x3  }
0x91: {  	_ =	strace s1  }
0x92: {  	s1 =	sld [smem:$0x3FFD];
	_ =	sdelay $0x3  }
0x93: {  	_ =	strace s1  }
0x94: {  	_ =	strace $0x8FFFFFFF  }
0x95: {  	s17 =	sld [smem:$0x3FDB];
	_ =	sdelay $0x1  }
0x96: {  	s2 =	simm.s32 $_scs_section_size  }
0x97: {  	s3 =	simm.s32 $_size__tile_overlayer_lowered;
	s4 =	simm.s32 $_tile_overlayer_lowered  }
0x98: {  	s20 =	simm.s32 $0x1BFF;
	s19 =	sshll.u32 s4, $0x1;
	s1 =	sadd.s32 s2, s17  }
0x99: {  	s5 =	simm.s32 $0x0;
	s18 =	sshll.u32 s3, $0x1;
	s3 =	sadd.s32 s19, s1  }
0x9a: {  	[timem:s5], [sflag:s20] =	dma.local [hbm:s3], s18  }
0x9b: {  	_ =	swait.ge [sflag:s20], s18  }
0x9c: {  	s2 =	ssub.s32 $0x0, s18;
	[sflag:s20] =	ssyncset.done $0x0  }
0x9d: {  	[sflag:s20] =	ssyncadd.s32 s2;
	_ =	sdelay $0x1  }
0x9e: {  	s21 =	simm.s32 $0x1B8B  }
0x9f: {  	_ =	swait.ge [sflag:s21], $0x1  }
0xa0: {  	[sflag:s21] =	ssyncset.done $0x0  }
0xa1: {  	s23 =	simm.s32 $0x1B8E;
	s22 =	sld [smem:$0x3FFE];
	[sflag:s21] =	ssyncadd.s32 $0xFFFFFFFF  }
0xa2: {  	s24 =	simm.s32 $execute0_lowered;
	[smem:$0x3FD2] =	sst s23  }
0xa3: {  	s3 =	sshll.u32 s24, $0x1;
	_ =	strace $0x80000049;
	[dreg:$0x1] =	wrdreg $0xFFFFFFFF  }
0xa4: {  	s25 =	simm.s32 $_size_execute0_lowered;
	s1 =	sadd.s32 s1, s3;
	[dreg:$0x0] =	wrdreg $0x0  }
0xa5: {  	s3 =	sshll.u32 s25, $0x1;
	[dreg:$0x2] =	wrdreg s1  }
0xa6: {  	[dreg:$0x3] =	wrdreg s3  }
0xa7: {  	[dreg:$0x4] =	wrdreg $0xC0  }
0xa8: {  	_ =	task [dreg:s5], $0x5FFFF  }
0xa9: {  	[dreg:$0x1] =	wrdreg $0xFFFFFFFF  }
0xaa: {  	[dreg:$0x0] =	wrdreg $0x60  }
0xab: {  	[dreg:$0x2] =	wrdreg s0  }
0xac: {  	[dreg:$0x3] =	wrdreg s22  }
0xad: {  	[dreg:$0x4] =	wrdreg $0x9  }
0xae: {  	_ =	task.clear_ibuf [dreg:s5], $0x5FFFF;
	_ =	strace $0x90000049  }
0xaf: {  	s26 =	simm.s32 $0x9;
	_ =	strace $0x8000004B  }
0xb0: {  	_ =	swait.ge [sflag:s26], $0x1  }
0xb1: {  	[sflag:s26] =	ssyncadd.s32 $0xFFFFFFFF  }
0xb2: {  	_ =	strace $0x9000004B  }
0xb3: {  	_ =	sfence  }
0xb4: {  	s28 =	sld [smem:$0x0];
	_ =	sdelay $0x1  }
0xb5: {  	s29 =	srdreg.scid  }
0xb6: {  	s30 =	sshll.u32 s29, $0xD;
	s31 =	sshrl.u32 s29, $0x2  }
0xb7: {  	s2 =	sand.u32 $0x4000, s30;
	s1 =	sand.u32 $0x1, s29;
	s0 =	sadd.s32 s31, s28  }
0xb8: {  	s1 =	sor.u32 s2, s1;
	s0 =	sshll.u32 s0, $0x11  }
0xb9: {  	s0 =	sor.u32 s0, s1  }
0xba: {  	s0 =	sadd.s32 $0x8F2B, s0  }
0xbb: {  	[sflag:s0] =	ssyncadd.remote.s32 $0x1  }
0xbc: {  	_ =	sfence.sel $0xFFFF  }
0xbd: {  	[dreg:$0x0] =	wrdreg $0xFFFFFFFF;
	(pc) =	sbr.abs _section_cstart, $3  }
0xbe: {  	[dreg:$0x1] =	wrdreg $0xFFFFFFFF  }
0xbf: {  	_ =	task.clear_ibuf [dreg:s5], $0x2FFFF;
	_ =	strace $0x9FFFFFFF  }
0xc0: {  	(tm) =	ssettm $0x7FFFFFFF  }
0xc1: {  	_ =	shalt  }
tec
execute0_lowered:
.L_overlay_start_1:
0x0: {  	(tag) =	ssettag $0x1  }
0x1: {  	s2 =	rddreg [dreg:$0x0]  }
0x2: {  	s5 =	rddreg [dreg:$0x1]  }
0x3: {  	s0 =	rddreg [dreg:$0x2];
	s1 =	stileid.u32;
	_ =	strace $0x8000004A  }
0x4: {  	s6 =	simm.s32 $0x1;
	s8 =	simm.s32 $0x2;
	s30 =	simm.s32 $0x3  }
0x5: {  	s12 =	simm.s32 $0x0;
	s9 =	simm.s32 $0x0;
	s4 =	sshll.u32 s1, $0x4  }
0x6: {  	s10 =	simm.s32 $0x0;
	s3 =	sadd.s32 $0x4E200, s5;
	s7 =	ssub.s32 $0xBB0, s4  }
0x7: {  	s5 =	sadd.s32 $0x4E400, s5;
	[sflag:s6] =	ssyncpa.u1 $0x0;
	s6 =	sshrl.u32 s7, $0x8  }
0x8: {  	[sflag:s8] =	ssyncpa.u1 $0x0;
	s11 =	smov.u32 s4;
	s31 =	sshll.u32 s6, $0x4  }
0x9: {  	[sflag:s30] =	ssyncpa.u1 $0x0;
	s7 =	sadd.s32 $0x2, s6;
	s8 =	sadd.s32 $0x30, s31  }
.LBB2_1:
0xa: {  	p0 =	sgt.u32 s10, s6  }
0xb: {  	s13 =	sxor.u32 @!p0 $0xFFFFFFFF, s9;
	s14 =	sshrl.u32 @!p0 s11, $0x3  }
0xc: {  	s15 =	sand.u32 @!p0 $0x7, s11;
	s13 =	sand.u32 @!p0 $0x10, s13;
	s14 =	sadd.s32 @!p0 s3, s14  }
0xd: {  	[tilespmem:s13], [sflag:$0x2] =	stream.linear.gather @!p0 [hbm4b:s14+s15], $0x10, $0x38;
	[tilespmem:$0x40] =	vst v63  }
0xe: {  	p0 =	seq.s32 s9, $0x0  }
0xf: {  	p1 =	sge.u32 @!p0 s10, s7  }
0x10: {  	p0 =	por p1, p0  }
0x11: {  	s13 =	simm.s32 @!p0 $0x2  }
0x12: {  	_ =	swait.ge @!p0 [sflag:s13], $0x10  }
0x13: {  	[sflag:s13] =	ssyncset.done @!p0 $0x0  }
0x14: {  	[sflag:s13] =	ssyncadd.s32 @!p0 $0xFFFFFFF0;
	s13 =	sand.u32 @!p0 $0x10, s9  }
0x15: {  	(ifvalue) =	ssetifvalue @!p0 $0x7FFFFFFF;
	v0 =	vld.msk @!p0 [tilespmem:s13+$0x0 ss:$0x1], $0xffff;
	_ =	sdelay $0x4  }
0x16: {  	vm0 =	veq.s32 @!p0 v0, $0x80000000;
	v1 =	vand.u32 @!p0 $0x3, v0;
	v0 =	vshrl.u32 @!p0 v0, $0x2  }
0x17: {  	v1 =	vsel @!p0 vm0, $0xFFFFFFFF, v1;
	v0 =	vand.u32 @!p0 $0x1FFF, v0  }
0x18: {  	v0 =	vsel @!p0 vm0, $0xFFFFFFFF, v0;
	v2 =	vshrl.u32 @!p0 v1, $0x2  }
0x19: {  	v2 =	vmul.u32 @!p0 $0x5000, v2;
	v3 =	vshll.u32 @!p0 v0, $0x2  }
0x1a: {  	v1 =	vshll.u32 @!p0 v1, $0x7;
	v3 =	vand.u32 @!p0 $0xFFFFFE00, v3  }
0x1b: {  	v1 =	vand.u32 @!p0 $0x180, v1;
	v2 =	vadd.s32 @!p0 v2, v3  }
0x1c: {  	v0 =	vand.u32 @!p0 $0x7F, v0;
	v1 =	vor.u32 @!p0 v1, v2  }
0x1d: {  	v0 =	vor.u32 @!p0 v0, v1;
	_ =	sdelay $0x3  }
0x1e: {  	s14 =	simm.s32 @!p0 $0x0;
	s13 =	sor.u32 @!p0 $0x20, s13;
	(ifvalue) =	ssetifvalue @!p0 $0x7FFFFFFF;
	vm0 =	vmmov @!p0 $0xffff  }
0x1f: {  	[tilespmem:s13], [sflag:$0x1] =	stream.indirect_vreg.gather @!p0 [hbm4b:s2+s14], $0x1, v0, vm0, $0x4038;
	[tilespmem:$0x40] =	vst v63  }
0x20: {  	s14 =	simm.s32 @!p0 $0x1  }
0x21: {  	_ =	swait.ge @!p0 [sflag:s14], $0x10  }
0x22: {  	s15 =	sshrl.u32 @!p0 s12, $0x3;
	[sflag:s14] =	ssyncset.done @!p0 $0x0  }
0x23: {  	s12 =	sand.u32 @!p0 $0x7, s12;
	[sflag:s14] =	ssyncadd.s32 @!p0 $0xFFFFFFF0;
	s14 =	sadd.s32 @!p0 s5, s15  }
0x24: {  	[hbm4b:s14+s12] =	stream.linear.scatter @!p0 [tilespmem:s13], [sflag:$0x3], $0x10, $0x38;
	[tilespmem:$0x40] =	vst v63  }
0x25: {  	s14 =	sadd.s32 $0x100, s11  }
0x26: {  	s9 =	sadd.s32 $0x10, s9;
	p1 =	sgt.s32 s14, $0xBB7  }
0x27: {  	s14 =	smov.u32 @p1 s4;
	p1 =	sne.s32 s8, s9  }
.Ltmp0:
0x28: {  	p0 =	slt.u32 s10, $0x2;
	(pc) =	sbr.rel @p1 .LBB2_1-.Ltmp0, $4  }
0x29: {  	s13 =	simm.s32 @!p0 $0x3  }
0x2a: {  	_ =	swait.ge @!p0 [sflag:s13], $0x10  }
0x2b: {  	s12 =	smov.u32 s11;
	[sflag:s13] =	ssyncset.done @!p0 $0x0  }
0x2c: {  	s10 =	sadd.s32 $0x1, s10;
	s11 =	smov.u32 s14;
	[sflag:s13] =	ssyncadd.s32 @!p0 $0xFFFFFFF0  }
0x2d: {  	_ =	sfence.sel $0x180000  }
0x2e: {  	s2 =	simm.s32 $0x2;
	[bflag:$0x0] =	sbarrier.arrive $0xFFFF  }
0x2f: {  	s30 =	simm.s32 $0x3;
	[sflag:s2] =	ssyncpa.u1 $0x1  }
0x30: {  	s31 =	simm.s32 $0x1;
	[sflag:s30] =	ssyncpa.u1 $0x1  }
0x31: {  	[sflag:s31] =	ssyncpa.u1 $0x1  }
0x32: {  	p0 =	sne.s32 s1, $0x0;
	_ =	strace $0x9000004A  }
0x33: {  	s0 =	sadd.s32 @!p0 $0x100000, s0;
	[bflag:$0x2] =	sbarrier.arrive $0xFFFF  }
0x34: {  	[sflag:s0] =	ssyncadd.tile.s32 @!p0 $0x1;
	_ =	shalt  }
.Lfunc_end2:
_tile_overlayer_lowered:
.L_overlay_start_2:
0x35: {  	(tag) =	ssettag $0x2  }
0x36: {  	s0 =	rddreg [dreg:$0x0];
	s2 =	stileid.u32  }
0x37: {  	s1 =	rddreg [dreg:$0x1];
	p0 =	sne.s32 s2, $0x0  }
0x38: {  	s3 =	rddreg [dreg:$0x2];
	[bflag:$0x3] =	sbarrier.arrive $0xFFFF;
	s2 =	simm.s32 @!p0 $0x1C01  }
0x39: {  	[timem:s3], [sflag:s2] =	dma.local @!p0 [hbm:s0], s1  }
0x3a: {  	s0 =	simm.s32 @!p0 $0x1  }
0x3b: {  	_ =	swait.ge @!p0 [sflag:s0], s1  }
0x3c: {  	s1 =	ssub.s32 @!p0 $0x0, s1;
	[sflag:s0] =	ssyncset.done @!p0 $0x0  }
0x3d: {  	[sflag:s0] =	ssyncadd.s32 @!p0 s1  }
0x3e: {  	[bflag:$0x3] =	sbarrier.arrive $0xFFFF  }
0x3f: {  	_ =	shalt  }

// kernel: gather_offload_async_start
scs
__scs_entry_jumppad:
0x0: {  	(pc) =	sbr.rel $0x88, $3  }
0x1: {  	(tag) =	ssettag $0x0;
	lr =	simm.s32 $0x1  }
0x2: {  	[smem:$0x3F9E] =	sst lr;
	_ =	strace $0xD0000000  }
0x3: {  	_ = 	snop  }
0x4: {  	_ = 	snop  }
0x5: {  	_ = 	snop  }
0x6: {  	_ = 	snop  }
0x7: {  	_ = 	snop  }
__scs_overlays_trampoline_lowered:
0x8: {  	[smem:$0x3FAD] =	sst s0  }
0x9: {  	[smem:$0x3FAE] =	sst s1  }
0xa: {  	[smem:$0x3FAF] =	sst s2  }
0xb: {  	[smem:$0x3FB0] =	sst s3  }
0xc: {  	[smem:$0x3FB1] =	sst s4  }
0xd: {  	[smem:$0x3FB2] =	sst s5  }
0xe: {  	[smem:$0x3FB3] =	sst s6  }
0xf: {  	[smem:$0x3FB4] =	sst s7  }
0x10: {  	[smem:$0x3FB5] =	sst s8  }
0x11: {  	[smem:$0x3FB6] =	sst s9;
	s0 =	simm.s32 @!p0 $0x0  }
0x12: {  	s1 =	sld [smem:$0x3F9C];
	s0 =	simm.s32 @p0 $0x1  }
0x13: {  	[smem:$0x3FB7] =	sst s0;
	s0 =	simm.s32 @!p1 $0x0  }
0x14: {  	s2 =	sld [smem:$0x3F9B];
	s0 =	simm.s32 @p1 $0x1  }
0x15: {  	[smem:$0x3FB8] =	sst s0;
	s0 =	simm.s32 @!p2 $0x0  }
0x16: {  	s3 =	sld [smem:$0x3FDB];
	s0 =	simm.s32 @p2 $0x1  }
0x17: {  	s4 =	simm.s32 $0x1BF5;
	[smem:$0x3FBA] =	sst s0  }
0x18: {  	s0 =	sld [smem:$0x3F9D];
	_ =	swait.ge [sflag:s4], $0x0  }
0x19: {  	s7 =	sld [smem:$0x3F9E]  }
0x1a: {  	s8 =	sadd.s32 $0xFFFFE003, lr  }
0x1b: {  	s9 =	sadd.s32 $0xFFFFFEF7, lr;
	s5 =	simm.s32 $0xFFFFFFFF;
	p2 =	slt.u32 s8, $0xFFFFF086  }
0x1c: {  	p1 =	slt.u32 s9, $0xF7A;
	s5 =	simm.s32 @!p2 $0x0  }
0x1d: {  	s5 =	simm.s32 @p1 $0x1;
	p0 =	seq.s32 s7, s2  }
0x1e: {  	s7 =	smul.u32 @!p0 $0xF7A, s2;
	p2 =	seq.s32 @!p0 s5, $0x0  }
0x1f: {  	s9 =	smul.u32 $0xF7A, s1;
	s8 =	simm.s32 @!p0 $0x1BF5;
	p2 =	por !p2, p0  }
0x20: {  	[sflag:s8] =	ssyncset.s32 @!p0 $0xFFFFF086;
	s6 =	sadd.s32 @!p0 s3, s7;
	s7 =	simm.s32 @!p0 $0x108  }
0x21: {  	s3 =	sadd.s32 s3, s9;
	s6 =	sadd.s32 @!p0 $0x88, s6;
	s7 =	simm.s32 @p2 $0x1082  }
0x22: {  	[simem:s7], [sflag:s8] =	dma.local @!p0 [hbm:s6], $0xF7A  }
0x23: {  	s9 =	sor.u32 $0xD0000000, s2;
	s6 =	simm.s32 $0x108;
	_ =	swait.ge @!p0 [sflag:s8], $0x0  }
0x24: {  	s3 =	sadd.s32 $0x88, s3;
	s6 =	simm.s32 @!p1 $0x1082;
	[sflag:s4] =	ssyncset.s32 $0xFFFFF086  }
0x25: {  	[simem:s6], [sflag:s4] =	dma.local [hbm:s3], $0xF7A  }
0x26: {  	[smem:$0x3F9E] =	sst s1;
	(tag) =	ssettag s2;
	_ =	strace s9  }
0x27: {  	s1 =	sld [smem:$0x3FAE]  }
0x28: {  	s2 =	sld [smem:$0x3FAF]  }
0x29: {  	s4 =	sld [smem:$0x3FB1]  }
0x2a: {  	p0 =	seq.s32 s5, $0x0;
	s5 =	sld [smem:$0x3FB2]  }
0x2b: {  	s6 =	sld [smem:$0x3FB3]  }
0x2c: {  	s7 =	sld [smem:$0x3FB4]  }
0x2d: {  	s3 =	simm.s32 $0x108;
	s8 =	sld [smem:$0x3FB5]  }
0x2e: {  	s3 =	simm.s32 @!p0 $0x1082;
	s9 =	sld [smem:$0x3FB6]  }
0x2f: {  	lr =	sadd.s32 s0, s3;
	s0 =	sld [smem:$0x3FAD]  }
0x30: {  	s3 =	sld [smem:$0x3FB0]  }
0x31: {  	[smem:$0x3FB9] =	sst s10  }
0x32: {  	s10 =	sld [smem:$0x3FB7];
	_ =	sdelay $0x3  }
0x33: {  	p0 =	seq.s32 s10, $0x1;
	s10 =	sld [smem:$0x3FB9];
	_ =	sdelay $0x3  }
0x34: {  	[smem:$0x3FB9] =	sst s10  }
0x35: {  	s10 =	sld [smem:$0x3FB8];
	_ =	sdelay $0x3  }
0x36: {  	p1 =	seq.s32 s10, $0x1;
	s10 =	sld [smem:$0x3FB9];
	_ =	sdelay $0x3  }
0x37: {  	[smem:$0x3FB9] =	sst s10  }
0x38: {  	s10 =	sld [smem:$0x3FBA]  }
0x39: {  	_ = 	snop;
	(pc) =	sbr.ind lr, $3  }
0x3a: {  	_ = 	snop  }
0x3b: {  	_ = 	snop  }
0x3c: {  	p2 =	seq.s32 s10, $0x1;
	s10 =	sld [smem:$0x3FB9]  }
0x3d: {  	_ =	shalt  }
0x3e: {  	_ =	shalt  }
0x3f: {  	_ =	shalt  }
0x40: {  	_ =	shalt  }
0x41: {  	_ =	shalt  }
0x42: {  	_ =	shalt  }
0x43: {  	_ =	shalt  }
0x44: {  	_ =	shalt  }
0x45: {  	_ =	shalt  }
0x46: {  	_ =	shalt  }
0x47: {  	_ =	shalt  }
0x48: {  	_ =	shalt  }
0x49: {  	_ =	shalt  }
0x4a: {  	_ =	shalt  }
0x4b: {  	_ =	shalt  }
0x4c: {  	_ =	shalt  }
0x4d: {  	_ =	shalt  }
0x4e: {  	_ =	shalt  }
0x4f: {  	_ =	shalt  }
0x50: {  	_ =	shalt  }
0x51: {  	_ =	shalt  }
0x52: {  	_ =	shalt  }
0x53: {  	_ =	shalt  }
0x54: {  	_ =	shalt  }
0x55: {  	_ =	shalt  }
0x56: {  	_ =	shalt  }
0x57: {  	_ =	shalt  }
0x58: {  	_ =	shalt  }
0x59: {  	_ =	shalt  }
0x5a: {  	_ =	shalt  }
0x5b: {  	_ =	shalt  }
0x5c: {  	_ =	shalt  }
0x5d: {  	_ =	shalt  }
0x5e: {  	_ =	shalt  }
0x5f: {  	_ =	shalt  }
0x60: {  	_ =	shalt  }
0x61: {  	_ =	shalt  }
0x62: {  	_ =	shalt  }
0x63: {  	_ =	shalt  }
0x64: {  	_ =	shalt  }
0x65: {  	_ =	shalt  }
0x66: {  	_ =	shalt  }
0x67: {  	_ =	shalt  }
0x68: {  	_ =	shalt  }
0x69: {  	_ =	shalt  }
0x6a: {  	_ =	shalt  }
0x6b: {  	_ =	shalt  }
0x6c: {  	_ =	shalt  }
0x6d: {  	_ =	shalt  }
0x6e: {  	_ =	shalt  }
0x6f: {  	_ =	shalt  }
0x70: {  	_ =	shalt  }
0x71: {  	_ =	shalt  }
0x72: {  	_ =	shalt  }
0x73: {  	_ =	shalt  }
0x74: {  	_ =	shalt  }
0x75: {  	_ =	shalt  }
0x76: {  	_ =	shalt  }
0x77: {  	_ =	shalt  }
0x78: {  	_ =	shalt  }
0x79: {  	_ =	shalt  }
0x7a: {  	_ =	shalt  }
0x7b: {  	_ =	shalt  }
0x7c: {  	_ =	shalt  }
0x7d: {  	_ =	shalt  }
0x7e: {  	_ =	shalt  }
0x7f: {  	_ =	shalt  }
0x80: {  	_ =	shalt  }
0x81: {  	_ =	shalt  }
0x82: {  	_ =	shalt  }
0x83: {  	_ =	shalt  }
0x84: {  	_ =	shalt  }
0x85: {  	_ =	shalt  }
0x86: {  	_ =	shalt  }
0x87: {  	_ =	shalt  }
.Lfunc_end0:
.L_simem_size_0:
called_computation_lowered:
.L_overlay_start_0:
0x88: {  	s2 =	sld [smem:$0x3FD9]  }
0x89: {  	s3 =	sld [smem:$0x3FFE];
	_ =	sdelay $0x1  }
0x8a: {  	s1 =	srdreg.scid  }
0x8b: {  	s0 =	sand.u32 $0x1, s1  }
0x8c: {  	s17 =	sshll.u32 s0, $0xA;
	s2 =	sadd.s32 s3, s2  }
0x8d: {  	s2 =	sadd.s32 s2, s17  }
0x8e: {  	[smem:$0x3FC5] =	sst s2  }
0x8f: {  	_ = 	snop  }
0x90: {  	s2 =	sld [smem:$0x3FD0];
	(tm) =	ssettm $0x1  }
0x91: {  	s18 =	sld [smem:$0x3FFB];
	_ =	sdelay $0x3  }
0x92: {  	_ =	strace s18  }
0x93: {  	s3 =	sld [smem:$0x3FFC];
	_ =	sdelay $0x3  }
0x94: {  	_ =	strace s3  }
0x95: {  	s3 =	sld [smem:$0x3FFD];
	_ =	sdelay $0x3  }
0x96: {  	_ =	strace s3  }
0x97: {  	_ =	strace $0x8FFFFFFF  }
0x98: {  	s19 =	sld [smem:$0x3FDB];
	_ =	sdelay $0x1  }
0x99: {  	s4 =	simm.s32 $_scs_section_size  }
0x9a: {  	s5 =	simm.s32 $_size__tile_overlayer_lowered;
	s6 =	simm.s32 $_tile_overlayer_lowered  }
0x9b: {  	s22 =	simm.s32 $0x1BFF;
	s21 =	sshll.u32 s6, $0x1;
	s3 =	sadd.s32 s4, s19  }
0x9c: {  	s7 =	simm.s32 $0x0;
	s20 =	sshll.u32 s5, $0x1;
	s5 =	sadd.s32 s21, s3  }
0x9d: {  	[timem:s7], [sflag:s22] =	dma.local [hbm:s5], s20  }
0x9e: {  	_ =	swait.ge [sflag:s22], s20  }
0x9f: {  	s4 =	ssub.s32 $0x0, s20;
	[sflag:s22] =	ssyncset.done $0x0  }
0xa0: {  	[sflag:s22] =	ssyncadd.s32 s4;
	_ =	sdelay $0x1  }
0xa1: {  	s23 =	simm.s32 $0x1B8B  }
0xa2: {  	_ =	swait.ge [sflag:s23], $0x1  }
0xa3: {  	[sflag:s23] =	ssyncset.done $0x0  }
0xa4: {  	s25 =	simm.s32 $0x1B8E;
	s24 =	sld [smem:$0x3FFE];
	[sflag:s23] =	ssyncadd.s32 $0xFFFFFFFF  }
0xa5: {  	s26 =	simm.s32 $execute0_lowered;
	[smem:$0x3FD2] =	sst s25  }
0xa6: {  	s5 =	sshll.u32 s26, $0x1;
	_ =	strace $0x80000046;
	[dreg:$0x1] =	wrdreg $0xFFFFFFFF  }
0xa7: {  	s28 =	simm.s32 $_size_execute0_lowered;
	s3 =	sadd.s32 s3, s5;
	[dreg:$0x0] =	wrdreg $0x0  }
0xa8: {  	s5 =	sshll.u32 s28, $0x1;
	[dreg:$0x2] =	wrdreg s3  }
0xa9: {  	[dreg:$0x3] =	wrdreg s5  }
0xaa: {  	[dreg:$0x4] =	wrdreg $0xC0  }
0xab: {  	_ =	task [dreg:s7], $0x5FFFF  }
0xac: {  	[dreg:$0x1] =	wrdreg $0xFFFFFFFF  }
0xad: {  	[dreg:$0x0] =	wrdreg $0x60  }
0xae: {  	[dreg:$0x2] =	wrdreg s24  }
0xaf: {  	[dreg:$0x3] =	wrdreg s2  }
0xb0: {  	[dreg:$0x4] =	wrdreg $0x9  }
0xb1: {  	_ =	task.clear_ibuf [dreg:s7], $0x5FFFF;
	_ =	strace $0x90000046  }
0xb2: {  	s29 =	simm.s32 $0x9;
	_ =	strace $0x80000048  }
0xb3: {  	_ =	swait.ge [sflag:s29], $0x1  }
0xb4: {  	[sflag:s29] =	ssyncadd.s32 $0xFFFFFFFF  }
0xb5: {  	_ =	strace $0x90000048  }
0xb6: {  	_ =	sfence  }
0xb7: {  	s30 =	sld [smem:$0x0];
	_ =	sdelay $0x2  }
0xb8: {  	s31 =	sshll.u32 s1, $0xD;
	s1 =	sshrl.u32 s1, $0x2  }
0xb9: {  	s3 =	sand.u32 $0x4000, s31;
	s1 =	sadd.s32 s1, s30  }
0xba: {  	s0 =	sor.u32 s3, s0;
	s1 =	sshll.u32 s1, $0x11  }
0xbb: {  	s0 =	sor.u32 s1, s0  }
0xbc: {  	s0 =	sadd.s32 $0x8F2B, s0  }
0xbd: {  	[sflag:s0] =	ssyncadd.remote.s32 $0x1  }
0xbe: {  	_ =	sfence.sel $0xFFFF  }
0xbf: {  	[dreg:$0x0] =	wrdreg $0xFFFFFFFF;
	(pc) =	sbr.abs _section_cstart, $3  }
0xc0: {  	[dreg:$0x1] =	wrdreg $0xFFFFFFFF  }
0xc1: {  	_ =	task.clear_ibuf [dreg:s7], $0x2FFFF;
	_ =	strace $0x9FFFFFFF  }
0xc2: {  	(tm) =	ssettm $0x7FFFFFFF  }
0xc3: {  	_ =	shalt  }
tec
execute0_lowered:
.L_overlay_start_1:
0x0: {  	(tag) =	ssettag $0x1  }
0x1: {  	s0 =	srdreg.scid  }
0x2: {  	s1 =	sshll.u32 s0, $0x4  }
0x3: {  	s0 =	stileid.u32;
	s1 =	sand.u32 $0x10, s1  }
0x4: {  	s2 =	sor.u32 s0, s1  }
0x5: {  	s1 =	smin.u32 s2, $0x12  }
0x6: {  	s1 =	sadd.s32 s2, s1  }
0x7: {  	p0 =	slt.u32 s2, $0x12;
	s2 =	simm.s32 $0x320;
	s1 =	smul.u32 $0x190, s1  }
0x8: {  	s2 =	simm.s32 @!p0 $0x190  }
0x9: {  	s2 =	sadd.s32 s2, s1  }
0xa: {  	s3 =	smin.u32 s2, $0x4E20  }
0xb: {  	s7 =	ssub.s32 s3, s1  }
0xc: {  	p0 =	sgt.s32 s7, $0x0  }
0xd: {  	s7 =	simm.s32 @!p0 $0x0  }
0xe: {  	s31 =	sand.u32 $0xFFF0, s7  }
0xf: {  	s2 =	sshrl.u32 s31, $0x4  }
0x10: {  	s4 =	rddreg [dreg:$0x0];
	s2 =	smul.u32 $0xA3E, s2  }
0x11: {  	s5 =	rddreg [dreg:$0x1]  }
0x12: {  	s6 =	simm.s32 $0x1;
	s10 =	simm.s32 $0x3;
	s8 =	sshrl.u32 s2, $0x10  }
0x13: {  	s13 =	simm.s32 $0x0;
	s12 =	simm.s32 $0x0;
	s9 =	smul.u32 $0x190, s8  }
.Ltmp0:
0x14: {  	s11 =	smov.u32 s1;
	s2 =	rddreg [dreg:$0x2];
	(pc) =	sbr.rel .LBB2_1-.Ltmp0, $4  }
0x15: {  	_ =	strace $0x80000047;
	p0 =	sne.s32 s7, s9;
	s9 =	simm.s32 $0x1  }
0x16: {  	[sflag:s6] =	ssyncpa.u1 $0x0;
	s7 =	simm.s32 $0x2;
	s9 =	simm.s32 @!p0 $0x0  }
0x17: {  	[sflag:s7] =	ssyncpa.u1 $0x0;
	p0 =	por $0x0, $0x0;
	s8 =	sadd.s32 s8, s9  }
0x18: {  	vm0 =	vmmov $0xff;
	vm1 =	vcmask $0x3F20;
	s9 =	sadd.s32 $0xEB000, s4;
	[sflag:s10] =	ssyncpa.u1 $0x0;
	s10 =	sadd.s32 $0x1, s8  }
.LBB2_6:
0x19: {  	[hbm:s17] =	stream.linear.scatter [tilespmem:s14], [sflag:$0x3], $0x400, $0x38;
	[tilespmem:$0x19320] =	vst v63  }
.LBB2_7:
0x1a: {  	s13 =	sadd.s32 $0x190, s11  }
0x1b: {  	s15 =	smov.u32 s1;
	p2 =	slt.s32 s13, s3  }
0x1c: {  	s15 =	smov.u32 @p2 s13;
	p2 =	sne.s32 s12, s10  }
.Ltmp1:
0x1d: {  	p1 =	slt.u32 s12, $0x2;
	(pc) =	sbr.rel @!p2 .LBB2_8-.Ltmp1, $4  }
0x1e: {  	s14 =	simm.s32 @!p1 $0x3  }
0x1f: {  	s16 =	sadd.s32 $0x1, s12;
	_ =	swait.ge @!p1 [sflag:s14], $0xC800  }
0x20: {  	p0 =	por !p0, !p0;
	s13 =	smov.u32 s11;
	[sflag:s14] =	ssyncset.done @!p1 $0x0  }
0x21: {  	s12 =	smov.u32 s16;
	s11 =	smov.u32 s15;
	[sflag:s14] =	ssyncadd.s32 @!p1 $0xFFFF3800  }
.LBB2_1:
0x22: {  	p1 =	sge.u32 s12, s8  }
0x23: {  	s14 =	sxor.u32 @!p1 $0xFFFFFFFF, s12  }
0x24: {  	s14 =	sand.u32 @!p1 $0x1, s14  }
0x25: {  	s14 =	smul.u32 @!p1 $0x640, s14  }
0x26: {  	s31 =	sadd.s32 $0xFFFFFFFF, s12;
	s15 =	sshrl.u32 @!p1 s11, $0x3  }
0x27: {  	s16 =	sand.u32 @!p1 $0x7, s11;
	s15 =	sadd.s32 @!p1 s5, s15;
	s14 =	sshrl.u32 @!p1 s14, $0x2  }
0x28: {  	[tilespmem:s14], [sflag:$0x2] =	stream.linear.gather @!p1 [hbm4b:s15+s16], $0x190, $0x38;
	[tilespmem:$0x19320] =	vst v63  }
0x29: {  	p1 =	sge.u32 s31, s8  }
.Ltmp2:
0x2a: {  	_ = 	snop;
	(pc) =	sbr.rel @p1 .LBB2_7-.Ltmp2, $1  }
0x2b: {  	_ =	sdelay $0x3  }
0x2c: {  	s14 =	simm.s32 $0x1  }
0x2d: {  	s14 =	simm.s32 @!p0 $0x0  }
0x2e: {  	s15 =	smul.u32 $0x640, s14  }
0x2f: {  	_ =	swait.ge [sflag:s7], $0x190  }
0x30: {  	[sflag:s7] =	ssyncset.done $0x0;
	s16 =	sshrl.u32 s15, $0x2  }
0x31: {  	[sflag:s7] =	ssyncadd.s32 $0xFFFFFE70;
	s15 =	sadd.s32 $0x0, s16  }
0x32: {  	v0 =	vld.msk [tilespmem:s15+$0x0 ss:$0x1], $0xffff;
	_ =	sdelay $0x4  }
0x33: {  	v1 =	vand.u32 $0x3, v0;
	v2 =	vshll.u32 v0, $0x5  }
0x34: {  	vm2 =	veq.s32 v0, $0x80000000;
	v0 =	vmul.u32 $0x1D6000, v1;
	v1 =	vand.u32 $0x1FFF80, v2  }
0x35: {  	v1 =	vsel vm2, $0xFFFFFF80, v1  }
0x36: {  	v0 =	vsel vm2, $0xFFE2A000, v0;
	v2 =	vand.u32 $0xFFFFFC00, v1  }
0x37: {  	v1 =	vand.u32 $0x380, v1;
	v0 =	vadd.s32 v0, v2  }
0x38: {  	v0 =	vor.u32 v1, v0  }
0x39: {  	v0 =	vshrl.u32 v0, $0x3  }
0x3a: {  	s14 =	smul.u32 $0x32000, s14;
	_ =	sdelay $0x1  }
0x3b: {  	s14 =	sshrl.u32 s14, $0x2  }
0x3c: {  	s14 =	sor.u32 $0x320, s14  }
0x3d: {  	[tilespmem:s14], [sflag:$0x1] =	stream.indirect_vreg.gather [hbm:s4], $0x80, v0, vm0, $0x38;
	[tilespmem:$0x19320] =	vst v63  }
0x3e: {  	s17 =	sadd.s32 $0x10, s16;
	s15 =	sadd.s32 $0x400, s14  }
0x3f: {  	[tilespmem:s15], [sflag:$0x1] =	stream.indirect_vreg.gather [hbm:s4], $0x80, v0, vm1, $0x38;
	[tilespmem:$0x19320] =	vst v63  }
0x40: {  	s18 =	simm.s32 $0x80;
	v0 =	vld.msk [tilespmem:s17+$0x0 ss:$0x1], $0xffff;
	s17 =	smov.u32 s14  }
.LBB2_3:
0x41: {  	p1 =	sne.s32 s18, $0x600;
	_ =	sdelay $0x4  }
0x42: {  	v1 =	vand.u32 $0x3, v0;
	v2 =	vshll.u32 v0, $0x5  }
0x43: {  	vm2 =	veq.s32 v0, $0x80000000;
	v0 =	vmul.u32 $0x1D6000, v1;
	v1 =	vand.u32 $0x1FFF80, v2  }
0x44: {  	v1 =	vsel vm2, $0xFFFFFF80, v1  }
0x45: {  	v0 =	vsel vm2, $0xFFE2A000, v0;
	v2 =	vand.u32 $0xFFFFFC00, v1  }
0x46: {  	v1 =	vand.u32 $0x380, v1;
	v0 =	vadd.s32 v0, v2  }
0x47: {  	v0 =	vor.u32 v1, v0  }
0x48: {  	v0 =	vshrl.u32 v0, $0x3;
	_ =	sdelay $0x3  }
.Ltmp3:
0x49: {  	s19 =	sshra.s32 s18, $0x2;
	s17 =	sadd.s32 $0x800, s17;
	(pc) =	sbr.rel @p1 .LBB2_3-.Ltmp3, $4  }
0x4a: {  	[tilespmem:s17], [sflag:$0x1] =	stream.indirect_vreg.gather [hbm:s4], $0x80, v0, vm0, $0x38;
	[tilespmem:$0x19320] =	vst v63  }
0x4b: {  	s19 =	sadd.s32 s19, s16;
	s20 =	sadd.s32 $0x400, s17  }
0x4c: {  	[tilespmem:s20], [sflag:$0x1] =	stream.indirect_vreg.gather [hbm:s4], $0x80, v0, vm1, $0x38;
	[tilespmem:$0x19320] =	vst v63  }
0x4d: {  	s18 =	sadd.s32 $0x40, s18;
	v0 =	vld.msk [tilespmem:s19+$0x0 ss:$0x1], $0xffff  }
0x4e: {  	_ =	sdelay $0x3  }
0x4f: {  	v1 =	vand.u32 $0x3, v0;
	v2 =	vshll.u32 v0, $0x5  }
0x50: {  	vm2 =	veq.s32 v0, $0x80000000;
	v61 =	vmul.u32 $0x1D6000, v1;
	v62 =	vand.u32 $0x1FFF80, v2  }
0x51: {  	v1 =	vsel vm2, $0xFFFFFF80, v62  }
0x52: {  	v0 =	vsel vm2, $0xFFE2A000, v61;
	v63 =	vand.u32 $0xFFFFFC00, v1  }
0x53: {  	v1 =	vand.u32 $0x380, v1;
	v0 =	vadd.s32 v0, v63  }
0x54: {  	v0 =	vor.u32 v1, v0  }
0x55: {  	v0 =	vshrl.u32 v0, $0x3;
	_ =	sdelay $0x3  }
0x56: {  	s16 =	sadd.s32 $0x800, s17  }
0x57: {  	[tilespmem:s16], [sflag:$0x1] =	stream.indirect_vreg.gather [hbm:s4], $0x80, v0, vm0, $0x38;
	[tilespmem:$0x19320] =	vst v63  }
0x58: {  	s16 =	sadd.s32 $0x400, s16  }
0x59: {  	[tilespmem:s16], [sflag:$0x1] =	stream.indirect_vreg.gather [hbm:s4], $0x80, v0, vm1, $0x38;
	[tilespmem:$0x19320] =	vst v63  }
0x5a: {  	s13 =	sshll.u32 s13, $0x4;
	_ =	swait.ge [sflag:s6], $0xC800  }
0x5b: {  	s13 =	sadd.s32 s13, s9;
	[sflag:s6] =	ssyncset.done $0x0  }
0x5c: {  	s17 =	sadd.s32 $0x0, s13;
	s16 =	simm.s32 $0x80;
	[sflag:s6] =	ssyncadd.s32 $0xFFFF3800  }
.LBB2_5:
0x5d: {  	[hbm:s17] =	stream.linear.scatter [tilespmem:s14], [sflag:$0x3], $0x400, $0x38;
	[tilespmem:$0x19320] =	vst v63  }
0x5e: {  	s17 =	smov.u32 s16;
	s14 =	smov.u32 s15;
	p1 =	sne.s32 s16, $0x1880  }
.Ltmp4:
0x5f: {  	s16 =	sadd.s32 $0x80, s16;
	(pc) =	sbr.rel @p1 .LBB2_5-.Ltmp4, $2  }
0x60: {  	_ =	sdelay $0x2  }
0x61: {  	s15 =	sadd.s32 $0x400, s15;
	s17 =	sadd.s32 s17, s13  }
.Ltmp5:
0x62: {  	_ = 	snop;
	(pc) =	sbr.rel .LBB2_6-.Ltmp5, $1  }
0x63: {  	_ =	sdelay $0x3  }
.LBB2_8:
0x64: {  	_ =	sfence.sel $0x180000  }
0x65: {  	s1 =	simm.s32 $0x2;
	[bflag:$0x0] =	sbarrier.arrive $0xFFFF  }
0x66: {  	s30 =	simm.s32 $0x3;
	[sflag:s1] =	ssyncpa.u1 $0x1  }
0x67: {  	s31 =	simm.s32 $0x1;
	[sflag:s30] =	ssyncpa.u1 $0x1  }
0x68: {  	[sflag:s31] =	ssyncpa.u1 $0x1  }
0x69: {  	p0 =	sne.s32 s0, $0x0;
	_ =	strace $0x90000047  }
0x6a: {  	s0 =	sadd.s32 @!p0 $0x100000, s2;
	[bflag:$0x2] =	sbarrier.arrive $0xFFFF  }
0x6b: {  	[sflag:s0] =	ssyncadd.tile.s32 @!p0 $0x1;
	_ =	shalt  }
.Lfunc_end2:
_tile_overlayer_lowered:
.L_overlay_start_2:
0x6c: {  	(tag) =	ssettag $0x2  }
0x6d: {  	s0 =	rddreg [dreg:$0x0];
	s2 =	stileid.u32  }
0x6e: {  	s1 =	rddreg [dreg:$0x1];
	p0 =	sne.s32 s2, $0x0  }
0x6f: {  	s3 =	rddreg [dreg:$0x2];
	[bflag:$0x3] =	sbarrier.arrive $0xFFFF;
	s2 =	simm.s32 @!p0 $0x1C01  }
0x70: {  	[timem:s3], [sflag:s2] =	dma.local @!p0 [hbm:s0], s1  }
0x71: {  	s0 =	simm.s32 @!p0 $0x1  }
0x72: {  	_ =	swait.ge @!p0 [sflag:s0], s1  }
0x73: {  	s1 =	ssub.s32 @!p0 $0x0, s1;
	[sflag:s0] =	ssyncset.done @!p0 $0x0  }
0x74: {  	[sflag:s0] =	ssyncadd.s32 @!p0 s1  }
0x75: {  	[bflag:$0x3] =	sbarrier.arrive $0xFFFF  }
0x76: {  	_ =	shalt  }

</sc_bundles>
